<compile_context>
chip_gen: v7x
topology: tpu7x:2x2x1
jax: 0.10.2.dev20260603
libtpu: 0.0.44.dev20260713+nightly
codegen_flags: <defaults>
</compile_context>

<pallas_src>
import functools

import jax
import jax.numpy as jnp
from jax import lax
from jax.experimental import pallas as pl
from jax.experimental.pallas import tpu as pltpu
from jax.experimental.pallas import tpu_sc as plsc

N = 10000
E = 320000
D_IN = 128
TIME_DIM = 16
HEADS = 4
HEAD_OUT = 32
GAT_IN = D_IN + TIME_DIM
OUT = HEADS * HEAD_OUT

N_PAD = 10240
NB = 1024
EB = 3200
EC = 2560

_SC_MESH = plsc.VectorSubcoreMesh(core_axis_name="c", subcore_axis_name="s")
_SC_PARAMS = pltpu.CompilerParams(needs_layout_passes=False)


def _time_enc_body(et_ref, w_ref, b_ref, out_ref):
    out_ref[...] = jnp.cos(et_ref[...] * w_ref[...] + b_ref[...])


def _time_enc(edge_time, time_w, time_b):
    return pl.pallas_call(
        _time_enc_body,
        grid=(E // EB,),
        in_specs=[
            pl.BlockSpec((1, EB), lambda i: (0, i)),
            pl.BlockSpec((TIME_DIM, 1), lambda i: (0, 0)),
            pl.BlockSpec((TIME_DIM, 1), lambda i: (0, 0)),
        ],
        out_specs=pl.BlockSpec((TIME_DIM, EB), lambda i: (0, i)),
        out_shape=jax.ShapeDtypeStruct((TIME_DIM, E), jnp.float32),
    )(
        edge_time.reshape(1, E),
        time_w.reshape(TIME_DIM, 1),
        time_b.reshape(TIME_DIM, 1),
    )


@functools.partial(
    pl.kernel,
    out_type=(
        jax.ShapeDtypeStruct((TIME_DIM, 1, N_PAD), jnp.float32),
        jax.ShapeDtypeStruct((1, 1, N_PAD), jnp.float32),
    ),
    mesh=_SC_MESH,
    compiler_params=_SC_PARAMS,
    scratch_types=[
        pltpu.VMEM((1, N_PAD), jnp.float32),
        pltpu.VMEM((2 * EC,), jnp.float32),
        pltpu.VMEM((2 * EC,), jnp.int32),
        pltpu.SemaphoreType.DMA,
        pltpu.SemaphoreType.DMA,
    ],
)
def _sc_time_agg(temb_hbm, ei_hbm, tsum_hbm, cnt_hbm, acc, vbuf, dbuf, sem_v, sem_d):
    c = lax.axis_index("c")
    s = lax.axis_index("s")
    w = c * 16 + s
    is_cnt = w == TIME_DIM

    @pl.when(w <= TIME_DIM)
    def _():
        row = jnp.minimum(w, TIME_DIM - 1)

        def zbody(i, _):
            acc[0, pl.ds(i * 16, 16)] = jnp.zeros((16,), jnp.float32)
            return 0

        lax.fori_loop(0, N_PAD // 16, zbody, 0, unroll=8)

        nchunk = E // EC

        def copies(i, slot):
            off = i * EC
            return (
                pltpu.make_async_copy(
                    temb_hbm.at[row, 0, pl.ds(off, EC)],
                    vbuf.at[pl.ds(slot * EC, EC)], sem_v),
                pltpu.make_async_copy(
                    ei_hbm.at[1, 0, pl.ds(off, EC)],
                    dbuf.at[pl.ds(slot * EC, EC)], sem_d),
            )

        c0 = copies(0, 0)
        c0[0].start()
        c0[1].start()
        ones = jnp.full((16,), 1.0, jnp.float32)
        z16 = jnp.zeros((16,), jnp.int32)

        def body(i, _):
            slot = lax.rem(i, 2)

            @pl.when(i + 1 < nchunk)
            def _():
                nxt = copies(i + 1, lax.rem(i + 1, 2))
                nxt[0].start()
                nxt[1].start()

            cur = copies(i, slot)
            cur[0].wait()
            cur[1].wait()
            base = slot * EC

            def inner(j, _):
                d16 = dbuf[pl.ds(base + j * 16, 16)]
                v16 = vbuf[pl.ds(base + j * 16, 16)]
                v16 = jnp.where(is_cnt, ones, v16)
                plsc.addupdate_scatter(acc, [z16, d16], v16)
                return 0

            lax.fori_loop(0, EC // 16, inner, 0, unroll=4)
            return 0

        lax.fori_loop(0, nchunk, body, 0)

        @pl.when(is_cnt)
        def _():
            pltpu.sync_copy(acc, cnt_hbm.at[0])

        @pl.when(jnp.logical_not(is_cnt))
        def _():
            pltpu.sync_copy(acc, tsum_hbm.at[w])


def _dense_body(x_ref, ts_ref, cnt_ref, w1_ref, w2_ref, r1_ref, r2_ref,
                al_ref, ar_ref, ftT_ref, elT_ref, erT_ref, resT_ref):
    inv = 1.0 / jnp.maximum(cnt_ref[...], 1.0)
    ts = ts_ref[...] * inv
    x = x_ref[...]
    ftT = (
        lax.dot_general(w1_ref[...], x, (((1,), (1,)), ((), ())),
                        preferred_element_type=jnp.float32,
                        precision=lax.Precision.HIGHEST)
        + lax.dot_general(w2_ref[...], ts, (((1,), (0,)), ((), ())),
                          preferred_element_type=jnp.float32,
                        precision=lax.Precision.HIGHEST)
    )
    ftT_ref[...] = ftT
    elT_ref[...] = lax.dot_general(al_ref[...], ftT, (((1,), (0,)), ((), ())),
                                   preferred_element_type=jnp.float32,
                        precision=lax.Precision.HIGHEST)
    erT_ref[...] = lax.dot_general(ar_ref[...], ftT, (((1,), (0,)), ((), ())),
                                   preferred_element_type=jnp.float32,
                        precision=lax.Precision.HIGHEST)
    resT_ref[...] = (
        lax.dot_general(r1_ref[...], x, (((1,), (1,)), ((), ())),
                        preferred_element_type=jnp.float32,
                        precision=lax.Precision.HIGHEST)
        + lax.dot_general(r2_ref[...], ts, (((1,), (0,)), ((), ())),
                          preferred_element_type=jnp.float32,
                        precision=lax.Precision.HIGHEST)
    )


def _dense(x_pad, tsumT, cnt, w1, w2, r1, r2, al4, ar4):
    grid = (N_PAD // NB,)
    return pl.pallas_call(
        _dense_body,
        grid=grid,
        in_specs=[
            pl.BlockSpec((NB, D_IN), lambda i: (i, 0)),
            pl.BlockSpec((TIME_DIM, NB), lambda i: (0, i)),
            pl.BlockSpec((1, NB), lambda i: (0, i)),
            pl.BlockSpec((OUT, D_IN), lambda i: (0, 0)),
            pl.BlockSpec((OUT, TIME_DIM), lambda i: (0, 0)),
            pl.BlockSpec((OUT, D_IN), lambda i: (0, 0)),
            pl.BlockSpec((OUT, TIME_DIM), lambda i: (0, 0)),
            pl.BlockSpec((HEADS, OUT), lambda i: (0, 0)),
            pl.BlockSpec((HEADS, OUT), lambda i: (0, 0)),
        ],
        out_specs=[
            pl.BlockSpec((OUT, NB), lambda i: (0, i)),
            pl.BlockSpec((HEADS, NB), lambda i: (0, i)),
            pl.BlockSpec((HEADS, NB), lambda i: (0, i)),
            pl.BlockSpec((OUT, NB), lambda i: (0, i)),
        ],
        out_shape=[
            jax.ShapeDtypeStruct((OUT, N_PAD), jnp.float32),
            jax.ShapeDtypeStruct((HEADS, N_PAD), jnp.float32),
            jax.ShapeDtypeStruct((HEADS, N_PAD), jnp.float32),
            jax.ShapeDtypeStruct((OUT, N_PAD), jnp.float32),
        ],
    )(x_pad, tsumT, cnt, w1, w2, r1, r2, al4, ar4)


@functools.partial(
    pl.kernel,
    out_type=(
        jax.ShapeDtypeStruct((OUT // 4, 4, N_PAD), jnp.float32),
        jax.ShapeDtypeStruct((HEADS, 1, N_PAD), jnp.float32),
    ),
    mesh=_SC_MESH,
    compiler_params=_SC_PARAMS,
    scratch_types=[
        pltpu.VMEM((4, N_PAD), jnp.float32),
        pltpu.VMEM((4, N_PAD), jnp.float32),
        pltpu.VMEM((N_PAD,), jnp.float32),
        pltpu.VMEM((N_PAD,), jnp.float32),
        pltpu.VMEM((1, N_PAD), jnp.float32),
        pltpu.VMEM((2 * EC,), jnp.int32),
        pltpu.VMEM((2 * EC,), jnp.int32),
        pltpu.SemaphoreType.DMA,
        pltpu.SemaphoreType.DMA,
    ],
)
def _sc_msg(ftT_hbm, elT_hbm, erT_hbm, ei_hbm, numT_hbm, denT_hbm,
            ftc, acc, elv, erv, den, sbuf, dbuf, sem_s, sem_d):
    c = lax.axis_index("c")
    s = lax.axis_index("s")
    w = c * 16 + s
    h = w // 8
    is_owner = lax.rem(w, 8) == 0

    pltpu.sync_copy(ftT_hbm.at[w], ftc)
    pltpu.sync_copy(elT_hbm.at[h, 0], elv)
    pltpu.sync_copy(erT_hbm.at[h, 0], erv)

    def zbody(i, _):
        den[0, pl.ds(i * 16, 16)] = jnp.zeros((16,), jnp.float32)
        for k in range(4):
            acc[k, pl.ds(i * 16, 16)] = jnp.zeros((16,), jnp.float32)
        return 0

    lax.fori_loop(0, N_PAD // 16, zbody, 0, unroll=4)

    nchunk = E // EC

    def copies(i, slot):
        off = i * EC
        return (
            pltpu.make_async_copy(ei_hbm.at[0, 0, pl.ds(off, EC)],
                                  sbuf.at[pl.ds(slot * EC, EC)], sem_s),
            pltpu.make_async_copy(ei_hbm.at[1, 0, pl.ds(off, EC)],
                                  dbuf.at[pl.ds(slot * EC, EC)], sem_d),
        )

    c0 = copies(0, 0)
    c0[0].start()
    c0[1].start()

    def body(i, _):
        slot = lax.rem(i, 2)

        @pl.when(i + 1 < nchunk)
        def _():
            nxt = copies(i + 1, lax.rem(i + 1, 2))
            nxt[0].start()
            nxt[1].start()

        cur = copies(i, slot)
        cur[0].wait()
        cur[1].wait()
        base = slot * EC

        def inner(j, _):
            s16 = sbuf[pl.ds(base + j * 16, 16)]
            d16 = dbuf[pl.ds(base + j * 16, 16)]
            e = plsc.load_gather(elv, [s16]) + plsc.load_gather(erv, [d16])
            e = jnp.maximum(e, 0.01 * e)
            p = jnp.exp(e)

            @pl.when(is_owner)
            def _():
                z16 = jnp.zeros((16,), jnp.int32)
                plsc.addupdate_scatter(den, [z16, d16], p)

            for k in range(4):
                k16 = jnp.full((16,), k, jnp.int32)
                f = plsc.load_gather(ftc, [k16, s16])
                plsc.addupdate_scatter(acc, [k16, d16], f * p)
            return 0

        lax.fori_loop(0, EC // 16, inner, 0, unroll=2)
        return 0

    lax.fori_loop(0, nchunk, body, 0)

    pltpu.sync_copy(acc, numT_hbm.at[w])

    @pl.when(is_owner)
    def _():
        pltpu.sync_copy(den, denT_hbm.at[h])


def _final_body(num_ref, den_ref, resT_ref, eh_ref, eye_ref, out_ref):
    invd = 1.0 / jnp.maximum(den_ref[...], 1e-16)
    invf = lax.dot_general(eh_ref[...], invd, (((1,), (0,)), ((), ())),
                           preferred_element_type=jnp.float32,
                        precision=lax.Precision.HIGHEST)
    tmp = num_ref[...] * invf + resT_ref[...]
    r = lax.dot_general(tmp, eye_ref[...], (((0,), (0,)), ((), ())),
                        preferred_element_type=jnp.float32,
                        precision=lax.Precision.HIGHEST)
    out_ref[...] = jnp.where(r > 0, r, jnp.exp(r) - 1.0)


def _final(numT, denT, resT, eh, eye):
    return pl.pallas_call(
        _final_body,
        grid=(N_PAD // NB,),
        in_specs=[
            pl.BlockSpec((OUT, NB), lambda i: (0, i)),
            pl.BlockSpec((HEADS, NB), lambda i: (0, i)),
            pl.BlockSpec((OUT, NB), lambda i: (0, i)),
            pl.BlockSpec((OUT, HEADS), lambda i: (0, 0)),
            pl.BlockSpec((OUT, OUT), lambda i: (0, 0)),
        ],
        out_specs=pl.BlockSpec((NB, OUT), lambda i: (i, 0)),
        out_shape=jax.ShapeDtypeStruct((N_PAD, OUT), jnp.float32),
    )(numT, denT, resT, eh, eye)


def kernel(x, edge_index, edge_time, W_fc, attn_l, attn_r, W_res, time_w, time_b):
    edge_index = edge_index.astype(jnp.int32)

    ei3 = edge_index.reshape(2, 1, E)
    time_embT = _time_enc(edge_time, time_w, time_b)
    tsum3, cnt3 = _sc_time_agg(time_embT.reshape(TIME_DIM, 1, E), ei3)
    tsumT = tsum3.reshape(TIME_DIM, N_PAD)
    cnt = cnt3.reshape(1, N_PAD)

    x_pad = jnp.pad(x, ((0, N_PAD - N), (0, 0)))
    w1 = W_fc[:, :D_IN]
    w2 = W_fc[:, D_IN:]
    r1 = W_res[:, :D_IN]
    r2 = W_res[:, D_IN:]
    eye4 = jnp.eye(HEADS, dtype=jnp.float32)
    al4 = (eye4[:, :, None] * attn_l[None, :, :]).reshape(HEADS, OUT)
    ar4 = (eye4[:, :, None] * attn_r[None, :, :]).reshape(HEADS, OUT)

    ftT, elT, erT, resT = _dense(x_pad, tsumT, cnt, w1, w2, r1, r2, al4, ar4)
    num3, den3 = _sc_msg(
        ftT.reshape(OUT // 4, 4, N_PAD),
        elT.reshape(HEADS, 1, N_PAD),
        erT.reshape(HEADS, 1, N_PAD),
        ei3,
    )
    numT = num3.reshape(OUT, N_PAD)
    denT = den3.reshape(HEADS, N_PAD)

    eh = jnp.repeat(jnp.eye(HEADS, dtype=jnp.float32), HEAD_OUT, axis=0)
    eye = jnp.eye(OUT, dtype=jnp.float32)
    out_pad = _final(numT, denT, resT, eh, eye)
    return out_pad[:N]

# --- scband reference (transcript-rebuilt; emitter-appended) ---
"""Pipeline reference for scband-optimized-tgatmodel-85048942396184 (READ-ONLY COPY).

The authoritative reference and input builder live on the scoring server;
editing this copy changes nothing except your own understanding.
"""

import jax, jax.numpy as jnp
import numpy as np

N = 10000
E = 320000
D_IN = 128
TIME_DIM = 16
HEADS = 4
HEAD_OUT = 32  # out_dim // num_heads
GAT_IN = D_IN + TIME_DIM  # 144
OUT = HEADS * HEAD_OUT  # 128


def setup_inputs(seed: int = 0) -> dict:
    key = jax.random.key(seed)
    ks = jax.random.split(key, 9)
    x = jax.random.normal(ks[0], (N, D_IN), dtype=jnp.float32)
    edge_index = jax.random.randint(ks[1], (2, E), 0, N, dtype=jnp.int32)
    edge_time = jax.random.uniform(ks[2], (E,), dtype=jnp.float32)
    # learned parameters
    W_fc = jax.random.normal(ks[3], (OUT, GAT_IN), dtype=jnp.float32) * 0.05
    attn_l = jax.random.normal(ks[4], (HEADS, HEAD_OUT), dtype=jnp.float32) * 0.1
    attn_r = jax.random.normal(ks[5], (HEADS, HEAD_OUT), dtype=jnp.float32) * 0.1
    W_res = jax.random.normal(ks[6], (OUT, GAT_IN), dtype=jnp.float32) * 0.05
    time_w = jax.random.normal(ks[7], (TIME_DIM,), dtype=jnp.float32)
    time_b = jax.random.normal(ks[8], (TIME_DIM,), dtype=jnp.float32)
    return {"x": x, "edge_index": edge_index, "edge_time": edge_time,
            "W_fc": W_fc, "attn_l": attn_l, "attn_r": attn_r,
            "W_res": W_res, "time_w": time_w, "time_b": time_b}


def reference(x, edge_index, edge_time, W_fc, attn_l, attn_r, W_res, time_w, time_b):
    src = edge_index[0]
    dst = edge_index[1]
    # MemoryEfficientTimeEncoding: phi(t) = cos(t * w + b)  -> [E, TIME_DIM]
    time_emb = jnp.cos(edge_time[:, None] * time_w[None, :] + time_b[None, :])
    # g.update_all(copy_e('time_feat'), mean(...)) : per-node mean of incident edge time features
    t_sum = jax.ops.segment_sum(time_emb, dst, num_segments=N)
    t_cnt = jax.ops.segment_sum(jnp.ones((E,), dtype=jnp.float32), dst, num_segments=N)
    agg_time = t_sum / jnp.maximum(t_cnt, 1.0)[:, None]
    # concat node features with aggregated time features -> GAT input (dropout is identity at eval)
    h_cat = jnp.concatenate([x, agg_time], axis=1)  # [N, GAT_IN]
    # EfficientGATConv
    ft = (h_cat @ W_fc.T).reshape(N, HEADS, HEAD_OUT)
    el = jnp.sum(ft * attn_l[None, :, :], axis=-1)  # [N, H]
    er = jnp.sum(ft * attn_r[None, :, :], axis=-1)  # [N, H]
    e = el[src] + er[dst]  # u_add_v -> [E, H]
    e = jnp.where(e > 0, e, 0.01 * e)  # leaky_relu(0.01)
    # edge_softmax over incoming edges of each dst node
    e_max = jax.ops.segment_max(e, dst, num_segments=N)
    e_exp = jnp.exp(e - e_max[dst])
    denom = jax.ops.segment_sum(e_exp, dst, num_segments=N)
    a = e_exp / jnp.maximum(denom[dst], 1e-16)  # [E, H]
    # message passing: u_mul_e then sum-reduce to dst
    msg = ft[src] * a[:, :, None]  # [E, H, D]
    rst = jax.ops.segment_sum(msg, dst, num_segments=N)  # [N, H, D]
    # residual: in_feats (144) != out (128) -> linear projection of full concat feature
    res = (h_cat @ W_res.T).reshape(N, HEADS, HEAD_OUT)
    rst = rst + res
    # elu activation
    out = jnp.where(rst > 0, rst, jnp.expm1(rst))
    return out.reshape(N, HEADS * HEAD_OUT)

if __name__ == "__main__":
    import jax
    _d = setup_inputs()
    print(jax.jit(kernel)(*tuple(_d.values())))

</pallas_src>

<mosaic_0001>
#map = affine_map<(d0, d1) -> (0, 0, 0)>
module attributes {stable_mosaic.version = 14 : i64} {
  func.func @_sc_time_agg(%arg0: i32, %arg1: i32, %arg2: memref<16x1x320000xf32, #tpu.memory_space<hbm>>, %arg3: memref<2x1x320000xi32, #tpu.memory_space<hbm>>, %arg4: memref<16x1x10240xf32, #tpu.memory_space<hbm>>, %arg5: memref<1x1x10240xf32, #tpu.memory_space<hbm>>, %arg6: memref<1x10240xf32, #tpu.memory_space<vmem>>, %arg7: memref<5120xf32, #tpu.memory_space<vmem>>, %arg8: memref<5120xi32, #tpu.memory_space<vmem>>, %arg9: memref<!tpu.dma_semaphore, #tpu.memory_space<semaphore_mem>>, %arg10: memref<!tpu.dma_semaphore, #tpu.memory_space<semaphore_mem>>) attributes {dimension_semantics = [#tpu.dimension_semantics<core_parallel>, #tpu.dimension_semantics<subcore_parallel>], iteration_bounds = array<i64: 2, 16>, scalar_prefetch = 0 : i64, scratch_operands = 5 : i64, tpu.core_type = #tpu.core_type<sc_vector_subcore>, window_params = [{transform_indices = #map}, {transform_indices = #map}, {transform_indices = #map}, {transform_indices = #map}]} {
    %mul3A = arith.constant 16 : i32
    %mul3A_0 = arith.muli %arg0, %mul3A : i32
    %add3A = arith.addi %mul3A_0, %arg1 : i32
    %eq3A = arith.constant 16 : i32
    %eq3A_1 = arith.cmpi eq, %add3A, %eq3A : i32
    %le3A = arith.constant 16 : i32
    %le3A_2 = arith.cmpi sle, %add3A, %le3A : i32
    %convert_element_type3A = arith.extui %le3A_2 : i1 to i32
    %cond3A = arith.constant 0 : i32
    %cond3A_3 = arith.cmpi ne, %convert_element_type3A, %cond3A : i32
    scf.if %cond3A_3 {
      %min3A = arith.constant 15 : i32
      %min3A_4 = arith.minsi %add3A, %min3A : i32
      %scan3A = arith.constant 0 : i32
      %scan3A_5 = arith.constant 0 : i32
      %scan3A_6 = arith.constant 640 : i32
      %scan3A_7 = arith.addi %scan3A_5, %scan3A_6 : i32
      %scan3A_8 = arith.constant 8 : i32
      %scan3A_9 = scf.for %scan3A_50 = %scan3A_5 to %scan3A_7 step %scan3A_8 iter_args(%scan3A_51 = %scan3A) -> (i32)  : i32 {
        %broadcast_in_dim3A_52 = arith.constant 0.000000e+00 : f32
        %broadcast_in_dim3A_53 = vector.broadcast %broadcast_in_dim3A_52 : f32 to vector<16xf32>
        %mul3A_54 = arith.constant 16 : i32
        %mul3A_55 = arith.muli %scan3A_50, %mul3A_54 : i32
        %swap3A = arith.constant 0 : i32
        %swap3A_56 = arith.index_cast %swap3A : i32 to index
        %swap3A_57 = arith.index_cast %mul3A_55 : i32 to index
        %swap3A_58 = tpu.vector_load %arg6[%swap3A_56, %swap3A_57] {strides = array<i32>} : memref<1x10240xf32, #tpu.memory_space<vmem>>, vector<16xf32>,
        tpu.vector_store %arg6[%swap3A_56, %swap3A_57], %broadcast_in_dim3A_53 {strides = array<i32>} : memref<1x10240xf32, #tpu.memory_space<vmem>>, vector<16xf32>,
        %scan3A_59 = arith.constant 0 : i32
        %scan3A_60 = arith.constant 1 : i32
        %scan3A_61 = arith.addi %scan3A_50, %scan3A_60 : i32
        %broadcast_in_dim3A_62 = arith.constant 0.000000e+00 : f32
        %broadcast_in_dim3A_63 = vector.broadcast %broadcast_in_dim3A_62 : f32 to vector<16xf32>
        %mul3A_64 = arith.constant 16 : i32
        %mul3A_65 = arith.muli %scan3A_61, %mul3A_64 : i32
        %swap3A_66 = arith.constant 0 : i32
        %swap3A_67 = arith.index_cast %swap3A_66 : i32 to index
        %swap3A_68 = arith.index_cast %mul3A_65 : i32 to index
        %swap3A_69 = tpu.vector_load %arg6[%swap3A_67, %swap3A_68] {strides = array<i32>} : memref<1x10240xf32, #tpu.memory_space<vmem>>, vector<16xf32>,
        tpu.vector_store %arg6[%swap3A_67, %swap3A_68], %broadcast_in_dim3A_63 {strides = array<i32>} : memref<1x10240xf32, #tpu.memory_space<vmem>>, vector<16xf32>,
        %scan3A_70 = arith.constant 0 : i32
        %scan3A_71 = arith.constant 2 : i32
        %scan3A_72 = arith.addi %scan3A_50, %scan3A_71 : i32
        %broadcast_in_dim3A_73 = arith.constant 0.000000e+00 : f32
        %broadcast_in_dim3A_74 = vector.broadcast %broadcast_in_dim3A_73 : f32 to vector<16xf32>
        %mul3A_75 = arith.constant 16 : i32
        %mul3A_76 = arith.muli %scan3A_72, %mul3A_75 : i32
        %swap3A_77 = arith.constant 0 : i32
        %swap3A_78 = arith.index_cast %swap3A_77 : i32 to index
        %swap3A_79 = arith.index_cast %mul3A_76 : i32 to index
        %swap3A_80 = tpu.vector_load %arg6[%swap3A_78, %swap3A_79] {strides = array<i32>} : memref<1x10240xf32, #tpu.memory_space<vmem>>, vector<16xf32>,
        tpu.vector_store %arg6[%swap3A_78, %swap3A_79], %broadcast_in_dim3A_74 {strides = array<i32>} : memref<1x10240xf32, #tpu.memory_space<vmem>>, vector<16xf32>,
        %scan3A_81 = arith.constant 0 : i32
        %scan3A_82 = arith.constant 3 : i32
        %scan3A_83 = arith.addi %scan3A_50, %scan3A_82 : i32
        %broadcast_in_dim3A_84 = arith.constant 0.000000e+00 : f32
        %broadcast_in_dim3A_85 = vector.broadcast %broadcast_in_dim3A_84 : f32 to vector<16xf32>
        %mul3A_86 = arith.constant 16 : i32
        %mul3A_87 = arith.muli %scan3A_83, %mul3A_86 : i32
        %swap3A_88 = arith.constant 0 : i32
        %swap3A_89 = arith.index_cast %swap3A_88 : i32 to index
        %swap3A_90 = arith.index_cast %mul3A_87 : i32 to index
        %swap3A_91 = tpu.vector_load %arg6[%swap3A_89, %swap3A_90] {strides = array<i32>} : memref<1x10240xf32, #tpu.memory_space<vmem>>, vector<16xf32>,
        tpu.vector_store %arg6[%swap3A_89, %swap3A_90], %broadcast_in_dim3A_85 {strides = array<i32>} : memref<1x10240xf32, #tpu.memory_space<vmem>>, vector<16xf32>,
        %scan3A_92 = arith.constant 0 : i32
        %scan3A_93 = arith.constant 4 : i32
        %scan3A_94 = arith.addi %scan3A_50, %scan3A_93 : i32
        %broadcast_in_dim3A_95 = arith.constant 0.000000e+00 : f32
        %broadcast_in_dim3A_96 = vector.broadcast %broadcast_in_dim3A_95 : f32 to vector<16xf32>
        %mul3A_97 = arith.constant 16 : i32
        %mul3A_98 = arith.muli %scan3A_94, %mul3A_97 : i32
        %swap3A_99 = arith.constant 0 : i32
        %swap3A_100 = arith.index_cast %swap3A_99 : i32 to index
        %swap3A_101 = arith.index_cast %mul3A_98 : i32 to index
        %swap3A_102 = tpu.vector_load %arg6[%swap3A_100, %swap3A_101] {strides = array<i32>} : memref<1x10240xf32, #tpu.memory_space<vmem>>, vector<16xf32>,
        tpu.vector_store %arg6[%swap3A_100, %swap3A_101], %broadcast_in_dim3A_96 {strides = array<i32>} : memref<1x10240xf32, #tpu.memory_space<vmem>>, vector<16xf32>,
        %scan3A_103 = arith.constant 0 : i32
        %scan3A_104 = arith.constant 5 : i32
        %scan3A_105 = arith.addi %scan3A_50, %scan3A_104 : i32
        %broadcast_in_dim3A_106 = arith.constant 0.000000e+00 : f32
        %broadcast_in_dim3A_107 = vector.broadcast %broadcast_in_dim3A_106 : f32 to vector<16xf32>
        %mul3A_108 = arith.constant 16 : i32
        %mul3A_109 = arith.muli %scan3A_105, %mul3A_108 : i32
        %swap3A_110 = arith.constant 0 : i32
        %swap3A_111 = arith.index_cast %swap3A_110 : i32 to index
        %swap3A_112 = arith.index_cast %mul3A_109 : i32 to index
        %swap3A_113 = tpu.vector_load %arg6[%swap3A_111, %swap3A_112] {strides = array<i32>} : memref<1x10240xf32, #tpu.memory_space<vmem>>, vector<16xf32>,
        tpu.vector_store %arg6[%swap3A_111, %swap3A_112], %broadcast_in_dim3A_107 {strides = array<i32>} : memref<1x10240xf32, #tpu.memory_space<vmem>>, vector<16xf32>,
        %scan3A_114 = arith.constant 0 : i32
        %scan3A_115 = arith.constant 6 : i32
        %scan3A_116 = arith.addi %scan3A_50, %scan3A_115 : i32
        %broadcast_in_dim3A_117 = arith.constant 0.000000e+00 : f32
        %broadcast_in_dim3A_118 = vector.broadcast %broadcast_in_dim3A_117 : f32 to vector<16xf32>
        %mul3A_119 = arith.constant 16 : i32
        %mul3A_120 = arith.muli %scan3A_116, %mul3A_119 : i32
        %swap3A_121 = arith.constant 0 : i32
        %swap3A_122 = arith.index_cast %swap3A_121 : i32 to index
        %swap3A_123 = arith.index_cast %mul3A_120 : i32 to index
        %swap3A_124 = tpu.vector_load %arg6[%swap3A_122, %swap3A_123] {strides = array<i32>} : memref<1x10240xf32, #tpu.memory_space<vmem>>, vector<16xf32>,
        tpu.vector_store %arg6[%swap3A_122, %swap3A_123], %broadcast_in_dim3A_118 {strides = array<i32>} : memref<1x10240xf32, #tpu.memory_space<vmem>>, vector<16xf32>,
        %scan3A_125 = arith.constant 0 : i32
        %scan3A_126 = arith.constant 7 : i32
        %scan3A_127 = arith.addi %scan3A_50, %scan3A_126 : i32
        %broadcast_in_dim3A_128 = arith.constant 0.000000e+00 : f32
        %broadcast_in_dim3A_129 = vector.broadcast %broadcast_in_dim3A_128 : f32 to vector<16xf32>
        %mul3A_130 = arith.constant 16 : i32
        %mul3A_131 = arith.muli %scan3A_127, %mul3A_130 : i32
        %swap3A_132 = arith.constant 0 : i32
        %swap3A_133 = arith.index_cast %swap3A_132 : i32 to index
        %swap3A_134 = arith.index_cast %mul3A_131 : i32 to index
        %swap3A_135 = tpu.vector_load %arg6[%swap3A_133, %swap3A_134] {strides = array<i32>} : memref<1x10240xf32, #tpu.memory_space<vmem>>, vector<16xf32>,
        tpu.vector_store %arg6[%swap3A_133, %swap3A_134], %broadcast_in_dim3A_129 {strides = array<i32>} : memref<1x10240xf32, #tpu.memory_space<vmem>>, vector<16xf32>,
        %scan3A_136 = arith.constant 0 : i32
        scf.yield %scan3A_136 : i32
      }
      %scan3A_10 = arith.constant 640 : i32
      %dma_start3A = arith.constant 0 : i32
      %dma_start3A_11 = arith.constant 0 : i32
      %dma_start3A_12 = tpu.memref_slice %arg7[%dma_start3A_11] : memref<5120xf32, #tpu.memory_space<vmem>> -> memref<2560xf32, #tpu.memory_space<vmem>>
      %dma_start3A_13 = arith.constant 0 : i32
      %dma_start3A_14 = tpu.memref_slice %arg2[%min3A_4, %dma_start3A, %dma_start3A_13] : memref<16x1x320000xf32, #tpu.memory_space<hbm>> -> memref<1x1x2560xf32, #tpu.memory_space<hbm>>
      %dma_start3A_15 = tpu.memref_squeeze %dma_start3A_14 : memref<1x1x2560xf32, #tpu.memory_space<hbm>> -> memref<2560xf32, #tpu.memory_space<hbm>>
      %dma_start3A_16 = arith.constant 0 : i32
      %dma_start3A_17 = tpu.memref_slice %arg7[%dma_start3A_16] : memref<5120xf32, #tpu.memory_space<vmem>> -> memref<2560xf32, #tpu.memory_space<vmem>>
      %dma_start3A_18 = arith.constant 0 : i32
      %dma_start3A_19 = tpu.memref_slice %arg2[%min3A_4, %dma_start3A, %dma_start3A_18] : memref<16x1x320000xf32, #tpu.memory_space<hbm>> -> memref<1x1x2560xf32, #tpu.memory_space<hbm>>
      %dma_start3A_20 = tpu.memref_squeeze %dma_start3A_19 : memref<1x1x2560xf32, #tpu.memory_space<hbm>> -> memref<2560xf32, #tpu.memory_space<hbm>>
      tpu.enqueue_dma source(%dma_start3A_20 : memref<2560xf32, #tpu.memory_space<hbm>>) target(%dma_start3A_17 : memref<2560xf32, #tpu.memory_space<vmem>>) target_semaphore(%arg9 : memref<!tpu.dma_semaphore, #tpu.memory_space<semaphore_mem>>)
      %dma_start3A_21 = arith.constant 1 : i32
      %dma_start3A_22 = arith.constant 0 : i32
      %dma_start3A_23 = arith.constant 0 : i32
      %dma_start3A_24 = tpu.memref_slice %arg8[%dma_start3A_23] : memref<5120xi32, #tpu.memory_space<vmem>> -> memref<2560xi32, #tpu.memory_space<vmem>>
      %dma_start3A_25 = arith.constant 0 : i32
      %dma_start3A_26 = tpu.memref_slice %arg3[%dma_start3A_21, %dma_start3A_22, %dma_start3A_25] : memref<2x1x320000xi32, #tpu.memory_space<hbm>> -> memref<1x1x2560xi32, #tpu.memory_space<hbm>>
      %dma_start3A_27 = tpu.memref_squeeze %dma_start3A_26 : memref<1x1x2560xi32, #tpu.memory_space<hbm>> -> memref<2560xi32, #tpu.memory_space<hbm>>
      %dma_start3A_28 = arith.constant 0 : i32
      %dma_start3A_29 = tpu.memref_slice %arg8[%dma_start3A_28] : memref<5120xi32, #tpu.memory_space<vmem>> -> memref<2560xi32, #tpu.memory_space<vmem>>
      %dma_start3A_30 = arith.constant 0 : i32
      %dma_start3A_31 = tpu.memref_slice %arg3[%dma_start3A_21, %dma_start3A_22, %dma_start3A_30] : memref<2x1x320000xi32, #tpu.memory_space<hbm>> -> memref<1x1x2560xi32, #tpu.memory_space<hbm>>
      %dma_start3A_32 = tpu.memref_squeeze %dma_start3A_31 : memref<1x1x2560xi32, #tpu.memory_space<hbm>> -> memref<2560xi32, #tpu.memory_space<hbm>>
      tpu.enqueue_dma source(%dma_start3A_32 : memref<2560xi32, #tpu.memory_space<hbm>>) target(%dma_start3A_29 : memref<2560xi32, #tpu.memory_space<vmem>>) target_semaphore(%arg10 : memref<!tpu.dma_semaphore, #tpu.memory_space<semaphore_mem>>)
      %broadcast_in_dim3A = arith.constant 1.000000e+00 : f32
      %broadcast_in_dim3A_33 = vector.broadcast %broadcast_in_dim3A : f32 to vector<16xf32>
      %broadcast_in_dim3A_34 = arith.constant 0 : i32
      %broadcast_in_dim3A_35 = vector.broadcast %broadcast_in_dim3A_34 : i32 to vector<16xi32>
      %scan3A_36 = arith.constant 0 : i32
      %scan3A_37 = arith.constant 0 : i32
      %scan3A_38 = arith.constant 125 : i32
      %scan3A_39 = arith.addi %scan3A_37, %scan3A_38 : i32
      %scan3A_40 = arith.constant 1 : i32
      %scan3A_41 = scf.for %scan3A_50 = %scan3A_37 to %scan3A_39 step %scan3A_40 iter_args(%scan3A_51 = %scan3A_36) -> (i32)  : i32 {
        %rem3A = arith.constant 2 : i32
        %rem3A_52 = arith.remsi %scan3A_50, %rem3A : i32
        %add3A_53 = arith.constant 1 : i32
        %add3A_54 = arith.addi %scan3A_50, %add3A_53 : i32
        %lt3A = arith.constant 125 : i32
        %lt3A_55 = arith.cmpi slt, %add3A_54, %lt3A : i32
        %convert_element_type3A_56 = arith.extui %lt3A_55 : i1 to i32
        %cond3A_57 = arith.constant 0 : i32
        %cond3A_58 = arith.cmpi ne, %convert_element_type3A_56, %cond3A_57 : i32
        scf.if %cond3A_58 {
          %add3A_89 = arith.constant 1 : i32
          %add3A_90 = arith.addi %scan3A_50, %add3A_89 : i32
          %add3A_91 = arith.constant 1 : i32
          %add3A_92 = arith.addi %scan3A_50, %add3A_91 : i32
          %rem3A_93 = arith.constant 2 : i32
          %rem3A_94 = arith.remsi %add3A_92, %rem3A_93 : i32
          %mul3A_95 = arith.constant 2560 : i32
          %mul3A_96 = arith.muli %add3A_90, %mul3A_95 : i32
          %mul3A_97 = arith.constant 2560 : i32
          %mul3A_98 = arith.muli %rem3A_94, %mul3A_97 : i32
          %mul3A_99 = arith.constant 2560 : i32
          %mul3A_100 = arith.muli %rem3A_94, %mul3A_99 : i32
          %dma_start3A_101 = arith.constant 0 : i32
          %dma_start3A_102 = tpu.memref_slice %arg7[%mul3A_98] : memref<5120xf32, #tpu.memory_space<vmem>> -> memref<2560xf32, #tpu.memory_space<vmem>>
          %dma_start3A_103 = tpu.memref_slice %arg2[%min3A_4, %dma_start3A_101, %mul3A_96] : memref<16x1x320000xf32, #tpu.memory_space<hbm>> -> memref<1x1x2560xf32, #tpu.memory_space<hbm>>
          %dma_start3A_104 = tpu.memref_squeeze %dma_start3A_103 : memref<1x1x2560xf32, #tpu.memory_space<hbm>> -> memref<2560xf32, #tpu.memory_space<hbm>>
          %dma_start3A_105 = tpu.memref_slice %arg7[%mul3A_98] : memref<5120xf32, #tpu.memory_space<vmem>> -> memref<2560xf32, #tpu.memory_space<vmem>>
          %dma_start3A_106 = tpu.memref_slice %arg2[%min3A_4, %dma_start3A_101, %mul3A_96] : memref<16x1x320000xf32, #tpu.memory_space<hbm>> -> memref<1x1x2560xf32, #tpu.memory_space<hbm>>
          %dma_start3A_107 = tpu.memref_squeeze %dma_start3A_106 : memref<1x1x2560xf32, #tpu.memory_space<hbm>> -> memref<2560xf32, #tpu.memory_space<hbm>>
          tpu.enqueue_dma source(%dma_start3A_107 : memref<2560xf32, #tpu.memory_space<hbm>>) target(%dma_start3A_105 : memref<2560xf32, #tpu.memory_space<vmem>>) target_semaphore(%arg9 : memref<!tpu.dma_semaphore, #tpu.memory_space<semaphore_mem>>)
          %dma_start3A_108 = arith.constant 1 : i32
          %dma_start3A_109 = arith.constant 0 : i32
          %dma_start3A_110 = tpu.memref_slice %arg8[%mul3A_100] : memref<5120xi32, #tpu.memory_space<vmem>> -> memref<2560xi32, #tpu.memory_space<vmem>>
          %dma_start3A_111 = tpu.memref_slice %arg3[%dma_start3A_108, %dma_start3A_109, %mul3A_96] : memref<2x1x320000xi32, #tpu.memory_space<hbm>> -> memref<1x1x2560xi32, #tpu.memory_space<hbm>>
          %dma_start3A_112 = tpu.memref_squeeze %dma_start3A_111 : memref<1x1x2560xi32, #tpu.memory_space<hbm>> -> memref<2560xi32, #tpu.memory_space<hbm>>
          %dma_start3A_113 = tpu.memref_slice %arg8[%mul3A_100] : memref<5120xi32, #tpu.memory_space<vmem>> -> memref<2560xi32, #tpu.memory_space<vmem>>
          %dma_start3A_114 = tpu.memref_slice %arg3[%dma_start3A_108, %dma_start3A_109, %mul3A_96] : memref<2x1x320000xi32, #tpu.memory_space<hbm>> -> memref<1x1x2560xi32, #tpu.memory_space<hbm>>
          %dma_start3A_115 = tpu.memref_squeeze %dma_start3A_114 : memref<1x1x2560xi32, #tpu.memory_space<hbm>> -> memref<2560xi32, #tpu.memory_space<hbm>>
          tpu.enqueue_dma source(%dma_start3A_115 : memref<2560xi32, #tpu.memory_space<hbm>>) target(%dma_start3A_113 : memref<2560xi32, #tpu.memory_space<vmem>>) target_semaphore(%arg10 : memref<!tpu.dma_semaphore, #tpu.memory_space<semaphore_mem>>)
        } else {
        }
        %mul3A_59 = arith.constant 2560 : i32
        %mul3A_60 = arith.muli %scan3A_50, %mul3A_59 : i32
        %mul3A_61 = arith.constant 2560 : i32
        %mul3A_62 = arith.muli %rem3A_52, %mul3A_61 : i32
        %mul3A_63 = arith.constant 2560 : i32
        %mul3A_64 = arith.muli %rem3A_52, %mul3A_63 : i32
        %dma_wait3A = arith.constant 0 : i32
        %dma_wait3A_65 = tpu.memref_slice %arg7[%mul3A_62] : memref<5120xf32, #tpu.memory_space<vmem>> -> memref<2560xf32, #tpu.memory_space<vmem>>
        %dma_wait3A_66 = tpu.memref_slice %arg2[%min3A_4, %dma_wait3A, %mul3A_60] : memref<16x1x320000xf32, #tpu.memory_space<hbm>> -> memref<1x1x2560xf32, #tpu.memory_space<hbm>>
        %dma_wait3A_67 = tpu.memref_squeeze %dma_wait3A_66 : memref<1x1x2560xf32, #tpu.memory_space<hbm>> -> memref<2560xf32, #tpu.memory_space<hbm>>
        %dma_wait3A_68 = tpu.memref_slice %arg7[%mul3A_62] : memref<5120xf32, #tpu.memory_space<vmem>> -> memref<2560xf32, #tpu.memory_space<vmem>>
        %dma_wait3A_69 = tpu.memref_slice %arg2[%min3A_4, %dma_wait3A, %mul3A_60] : memref<16x1x320000xf32, #tpu.memory_space<hbm>> -> memref<1x1x2560xf32, #tpu.memory_space<hbm>>
        %dma_wait3A_70 = tpu.memref_squeeze %dma_wait3A_69 : memref<1x1x2560xf32, #tpu.memory_space<hbm>> -> memref<2560xf32, #tpu.memory_space<hbm>>
        tpu.wait_dma2 semaphore(%arg9 : memref<!tpu.dma_semaphore, #tpu.memory_space<semaphore_mem>>) src(%dma_wait3A_70 : memref<2560xf32, #tpu.memory_space<hbm>>) dst(%dma_wait3A_68 : memref<2560xf32, #tpu.memory_space<vmem>>)
        %dma_wait3A_71 = arith.constant 1 : i32
        %dma_wait3A_72 = arith.constant 0 : i32
        %dma_wait3A_73 = tpu.memref_slice %arg8[%mul3A_64] : memref<5120xi32, #tpu.memory_space<vmem>> -> memref<2560xi32, #tpu.memory_space<vmem>>
        %dma_wait3A_74 = tpu.memref_slice %arg3[%dma_wait3A_71, %dma_wait3A_72, %mul3A_60] : memref<2x1x320000xi32, #tpu.memory_space<hbm>> -> memref<1x1x2560xi32, #tpu.memory_space<hbm>>
        %dma_wait3A_75 = tpu.memref_squeeze %dma_wait3A_74 : memref<1x1x2560xi32, #tpu.memory_space<hbm>> -> memref<2560xi32, #tpu.memory_space<hbm>>
        %dma_wait3A_76 = tpu.memref_slice %arg8[%mul3A_64] : memref<5120xi32, #tpu.memory_space<vmem>> -> memref<2560xi32, #tpu.memory_space<vmem>>
        %dma_wait3A_77 = tpu.memref_slice %arg3[%dma_wait3A_71, %dma_wait3A_72, %mul3A_60] : memref<2x1x320000xi32, #tpu.memory_space<hbm>> -> memref<1x1x2560xi32, #tpu.memory_space<hbm>>
        %dma_wait3A_78 = tpu.memref_squeeze %dma_wait3A_77 : memref<1x1x2560xi32, #tpu.memory_space<hbm>> -> memref<2560xi32, #tpu.memory_space<hbm>>
        tpu.wait_dma2 semaphore(%arg10 : memref<!tpu.dma_semaphore, #tpu.memory_space<semaphore_mem>>) src(%dma_wait3A_78 : memref<2560xi32, #tpu.memory_space<hbm>>) dst(%dma_wait3A_76 : memref<2560xi32, #tpu.memory_space<vmem>>)
        %mul3A_79 = arith.constant 2560 : i32
        %mul3A_80 = arith.muli %rem3A_52, %mul3A_79 : i32
        %scan3A_81 = arith.constant 0 : i32
        %scan3A_82 = arith.constant 0 : i32
        %scan3A_83 = arith.constant 160 : i32
        %scan3A_84 = arith.addi %scan3A_82, %scan3A_83 : i32
        %scan3A_85 = arith.constant 4 : i32
        %scan3A_86 = scf.for %scan3A_89 = %scan3A_82 to %scan3A_84 step %scan3A_85 iter_args(%scan3A_90 = %scan3A_81) -> (i32)  : i32 {
          %mul3A_91 = arith.constant 16 : i32
          %mul3A_92 = arith.muli %scan3A_89, %mul3A_91 : i32
          %add3A_93 = arith.addi %mul3A_80, %mul3A_92 : i32
          %get3A = arith.index_cast %add3A_93 : i32 to index
          %get3A_94 = tpu.vector_load %arg8[%get3A] {strides = array<i32>} : memref<5120xi32, #tpu.memory_space<vmem>>, vector<16xi32>,
          %mul3A_95 = arith.constant 16 : i32
          %mul3A_96 = arith.muli %scan3A_89, %mul3A_95 : i32
          %add3A_97 = arith.addi %mul3A_80, %mul3A_96 : i32
          %get3A_98 = arith.index_cast %add3A_97 : i32 to index
          %get3A_99 = tpu.vector_load %arg7[%get3A_98] {strides = array<i32>} : memref<5120xf32, #tpu.memory_space<vmem>>, vector<16xf32>,
          %select_n3A = arith.select %eq3A_1, %broadcast_in_dim3A_33, %get3A_99 : vector<16xf32>
          tpu.vector_store_idx %arg6[%broadcast_in_dim3A_35, %get3A_94], %select_n3A {add = true} : memref<1x10240xf32, #tpu.memory_space<vmem>>[vector<16xi32>, vector<16xi32>], vector<16xf32>,
          %scan3A_100 = arith.constant 0 : i32
          %scan3A_101 = arith.constant 1 : i32
          %scan3A_102 = arith.addi %scan3A_89, %scan3A_101 : i32
          %mul3A_103 = arith.constant 16 : i32
          %mul3A_104 = arith.muli %scan3A_102, %mul3A_103 : i32
          %add3A_105 = arith.addi %mul3A_80, %mul3A_104 : i32
          %get3A_106 = arith.index_cast %add3A_105 : i32 to index
          %get3A_107 = tpu.vector_load %arg8[%get3A_106] {strides = array<i32>} : memref<5120xi32, #tpu.memory_space<vmem>>, vector<16xi32>,
          %mul3A_108 = arith.constant 16 : i32
          %mul3A_109 = arith.muli %scan3A_102, %mul3A_108 : i32
          %add3A_110 = arith.addi %mul3A_80, %mul3A_109 : i32
          %get3A_111 = arith.index_cast %add3A_110 : i32 to index
          %get3A_112 = tpu.vector_load %arg7[%get3A_111] {strides = array<i32>} : memref<5120xf32, #tpu.memory_space<vmem>>, vector<16xf32>,
          %select_n3A_113 = arith.select %eq3A_1, %broadcast_in_dim3A_33, %get3A_112 : vector<16xf32>
          tpu.vector_store_idx %arg6[%broadcast_in_dim3A_35, %get3A_107], %select_n3A_113 {add = true} : memref<1x10240xf32, #tpu.memory_space<vmem>>[vector<16xi32>, vector<16xi32>], vector<16xf32>,
          %scan3A_114 = arith.constant 0 : i32
          %scan3A_115 = arith.constant 2 : i32
          %scan3A_116 = arith.addi %scan3A_89, %scan3A_115 : i32
          %mul3A_117 = arith.constant 16 : i32
          %mul3A_118 = arith.muli %scan3A_116, %mul3A_117 : i32
          %add3A_119 = arith.addi %mul3A_80, %mul3A_118 : i32
          %get3A_120 = arith.index_cast %add3A_119 : i32 to index
          %get3A_121 = tpu.vector_load %arg8[%get3A_120] {strides = array<i32>} : memref<5120xi32, #tpu.memory_space<vmem>>, vector<16xi32>,
          %mul3A_122 = arith.constant 16 : i32
          %mul3A_123 = arith.muli %scan3A_116, %mul3A_122 : i32
          %add3A_124 = arith.addi %mul3A_80, %mul3A_123 : i32
          %get3A_125 = arith.index_cast %add3A_124 : i32 to index
          %get3A_126 = tpu.vector_load %arg7[%get3A_125] {strides = array<i32>} : memref<5120xf32, #tpu.memory_space<vmem>>, vector<16xf32>,
          %select_n3A_127 = arith.select %eq3A_1, %broadcast_in_dim3A_33, %get3A_126 : vector<16xf32>
          tpu.vector_store_idx %arg6[%broadcast_in_dim3A_35, %get3A_121], %select_n3A_127 {add = true} : memref<1x10240xf32, #tpu.memory_space<vmem>>[vector<16xi32>, vector<16xi32>], vector<16xf32>,
          %scan3A_128 = arith.constant 0 : i32
          %scan3A_129 = arith.constant 3 : i32
          %scan3A_130 = arith.addi %scan3A_89, %scan3A_129 : i32
          %mul3A_131 = arith.constant 16 : i32
          %mul3A_132 = arith.muli %scan3A_130, %mul3A_131 : i32
          %add3A_133 = arith.addi %mul3A_80, %mul3A_132 : i32
          %get3A_134 = arith.index_cast %add3A_133 : i32 to index
          %get3A_135 = tpu.vector_load %arg8[%get3A_134] {strides = array<i32>} : memref<5120xi32, #tpu.memory_space<vmem>>, vector<16xi32>,
          %mul3A_136 = arith.constant 16 : i32
          %mul3A_137 = arith.muli %scan3A_130, %mul3A_136 : i32
          %add3A_138 = arith.addi %mul3A_80, %mul3A_137 : i32
          %get3A_139 = arith.index_cast %add3A_138 : i32 to index
          %get3A_140 = tpu.vector_load %arg7[%get3A_139] {strides = array<i32>} : memref<5120xf32, #tpu.memory_space<vmem>>, vector<16xf32>,
          %select_n3A_141 = arith.select %eq3A_1, %broadcast_in_dim3A_33, %get3A_140 : vector<16xf32>
          tpu.vector_store_idx %arg6[%broadcast_in_dim3A_35, %get3A_135], %select_n3A_141 {add = true} : memref<1x10240xf32, #tpu.memory_space<vmem>>[vector<16xi32>, vector<16xi32>], vector<16xf32>,
          %scan3A_142 = arith.constant 0 : i32
          scf.yield %scan3A_142 : i32
        }
        %scan3A_87 = arith.constant 160 : i32
        %scan3A_88 = arith.constant 0 : i32
        scf.yield %scan3A_88 : i32
      }
      %scan3A_42 = arith.constant 125 : i32
      %convert_element_type3A_43 = arith.extui %eq3A_1 : i1 to i32
      %cond3A_44 = arith.constant 0 : i32
      %cond3A_45 = arith.cmpi ne, %convert_element_type3A_43, %cond3A_44 : i32
      scf.if %cond3A_45 {
        %run_scoped3A = arith.constant 0 : i32
        "tpu.region"() ({
          %run_scoped3A_50 = tpu.sem_alloc : memref<!tpu.dma_semaphore, #tpu.memory_space<semaphore_mem>>
          %dma_start3A_51 = arith.constant 0 : i32
          %dma_start3A_52 = arith.constant 0 : i32
          %dma_start3A_53 = tpu.memref_slice %arg5[%run_scoped3A, %dma_start3A_51, %dma_start3A_52] : memref<1x1x10240xf32, #tpu.memory_space<hbm>> -> memref<1x1x10240xf32, #tpu.memory_space<hbm>>
          %dma_start3A_54 = tpu.memref_squeeze %dma_start3A_53 : memref<1x1x10240xf32, #tpu.memory_space<hbm>> -> memref<1x10240xf32, #tpu.memory_space<hbm>>
          %dma_start3A_55 = arith.constant 0 : i32
          %dma_start3A_56 = arith.constant 0 : i32
          %dma_start3A_57 = tpu.memref_slice %arg5[%run_scoped3A, %dma_start3A_55, %dma_start3A_56] : memref<1x1x10240xf32, #tpu.memory_space<hbm>> -> memref<1x1x10240xf32, #tpu.memory_space<hbm>>
          %dma_start3A_58 = tpu.memref_squeeze %dma_start3A_57 : memref<1x1x10240xf32, #tpu.memory_space<hbm>> -> memref<1x10240xf32, #tpu.memory_space<hbm>>
          tpu.enqueue_dma source(%arg6 : memref<1x10240xf32, #tpu.memory_space<vmem>>) target(%dma_start3A_58 : memref<1x10240xf32, #tpu.memory_space<hbm>>) target_semaphore(%run_scoped3A_50 : memref<!tpu.dma_semaphore, #tpu.memory_space<semaphore_mem>>)
          %dma_wait3A = arith.constant 0 : i32
          %dma_wait3A_59 = arith.constant 0 : i32
          %dma_wait3A_60 = tpu.memref_slice %arg5[%run_scoped3A, %dma_wait3A, %dma_wait3A_59] : memref<1x1x10240xf32, #tpu.memory_space<hbm>> -> memref<1x1x10240xf32, #tpu.memory_space<hbm>>
          %dma_wait3A_61 = tpu.memref_squeeze %dma_wait3A_60 : memref<1x1x10240xf32, #tpu.memory_space<hbm>> -> memref<1x10240xf32, #tpu.memory_space<hbm>>
          %dma_wait3A_62 = arith.constant 0 : i32
          %dma_wait3A_63 = arith.constant 0 : i32
          %dma_wait3A_64 = tpu.memref_slice %arg5[%run_scoped3A, %dma_wait3A_62, %dma_wait3A_63] : memref<1x1x10240xf32, #tpu.memory_space<hbm>> -> memref<1x1x10240xf32, #tpu.memory_space<hbm>>
          %dma_wait3A_65 = tpu.memref_squeeze %dma_wait3A_64 : memref<1x1x10240xf32, #tpu.memory_space<hbm>> -> memref<1x10240xf32, #tpu.memory_space<hbm>>
          tpu.wait_dma2 semaphore(%run_scoped3A_50 : memref<!tpu.dma_semaphore, #tpu.memory_space<semaphore_mem>>) src(%arg6 : memref<1x10240xf32, #tpu.memory_space<vmem>>) dst(%dma_wait3A_65 : memref<1x10240xf32, #tpu.memory_space<hbm>>)
          tpu.yield
        }) : () -> ()
      } else {
      }
      %not3A = arith.constant true
      %not3A_46 = arith.xori %eq3A_1, %not3A : i1
      %convert_element_type3A_47 = arith.extui %not3A_46 : i1 to i32
      %cond3A_48 = arith.constant 0 : i32
      %cond3A_49 = arith.cmpi ne, %convert_element_type3A_47, %cond3A_48 : i32
      scf.if %cond3A_49 {
        "tpu.region"() ({
          %run_scoped3A = tpu.sem_alloc : memref<!tpu.dma_semaphore, #tpu.memory_space<semaphore_mem>>
          %dma_start3A_50 = arith.constant 0 : i32
          %dma_start3A_51 = arith.constant 0 : i32
          %dma_start3A_52 = tpu.memref_slice %arg4[%add3A, %dma_start3A_50, %dma_start3A_51] : memref<16x1x10240xf32, #tpu.memory_space<hbm>> -> memref<1x1x10240xf32, #tpu.memory_space<hbm>>
          %dma_start3A_53 = tpu.memref_squeeze %dma_start3A_52 : memref<1x1x10240xf32, #tpu.memory_space<hbm>> -> memref<1x10240xf32, #tpu.memory_space<hbm>>
          %dma_start3A_54 = arith.constant 0 : i32
          %dma_start3A_55 = arith.constant 0 : i32
          %dma_start3A_56 = tpu.memref_slice %arg4[%add3A, %dma_start3A_54, %dma_start3A_55] : memref<16x1x10240xf32, #tpu.memory_space<hbm>> -> memref<1x1x10240xf32, #tpu.memory_space<hbm>>
          %dma_start3A_57 = tpu.memref_squeeze %dma_start3A_56 : memref<1x1x10240xf32, #tpu.memory_space<hbm>> -> memref<1x10240xf32, #tpu.memory_space<hbm>>
          tpu.enqueue_dma source(%arg6 : memref<1x10240xf32, #tpu.memory_space<vmem>>) target(%dma_start3A_57 : memref<1x10240xf32, #tpu.memory_space<hbm>>) target_semaphore(%run_scoped3A : memref<!tpu.dma_semaphore, #tpu.memory_space<semaphore_mem>>)
          %dma_wait3A = arith.constant 0 : i32
          %dma_wait3A_58 = arith.constant 0 : i32
          %dma_wait3A_59 = tpu.memref_slice %arg4[%add3A, %dma_wait3A, %dma_wait3A_58] : memref<16x1x10240xf32, #tpu.memory_space<hbm>> -> memref<1x1x10240xf32, #tpu.memory_space<hbm>>
          %dma_wait3A_60 = tpu.memref_squeeze %dma_wait3A_59 : memref<1x1x10240xf32, #tpu.memory_space<hbm>> -> memref<1x10240xf32, #tpu.memory_space<hbm>>
          %dma_wait3A_61 = arith.constant 0 : i32
          %dma_wait3A_62 = arith.constant 0 : i32
          %dma_wait3A_63 = tpu.memref_slice %arg4[%add3A, %dma_wait3A_61, %dma_wait3A_62] : memref<16x1x10240xf32, #tpu.memory_space<hbm>> -> memref<1x1x10240xf32, #tpu.memory_space<hbm>>
          %dma_wait3A_64 = tpu.memref_squeeze %dma_wait3A_63 : memref<1x1x10240xf32, #tpu.memory_space<hbm>> -> memref<1x10240xf32, #tpu.memory_space<hbm>>
          tpu.wait_dma2 semaphore(%run_scoped3A : memref<!tpu.dma_semaphore, #tpu.memory_space<semaphore_mem>>) src(%arg6 : memref<1x10240xf32, #tpu.memory_space<vmem>>) dst(%dma_wait3A_64 : memref<1x10240xf32, #tpu.memory_space<hbm>>)
          tpu.yield
        }) : () -> ()
      } else {
      }
    } else {
    }
    return
  }
}

#map = affine_map<(d0, d1) -> (0, 0, 0)>
module attributes {stable_mosaic.version = 14 : i64} {
  func.func @_sc_msg(%arg0: i32, %arg1: i32, %arg2: memref<32x4x10240xf32, #tpu.memory_space<hbm>>, %arg3: memref<4x1x10240xf32, #tpu.memory_space<hbm>>, %arg4: memref<4x1x10240xf32, #tpu.memory_space<hbm>>, %arg5: memref<2x1x320000xi32, #tpu.memory_space<hbm>>, %arg6: memref<32x4x10240xf32, #tpu.memory_space<hbm>>, %arg7: memref<4x1x10240xf32, #tpu.memory_space<hbm>>, %arg8: memref<4x10240xf32, #tpu.memory_space<vmem>>, %arg9: memref<4x10240xf32, #tpu.memory_space<vmem>>, %arg10: memref<10240xf32, #tpu.memory_space<vmem>>, %arg11: memref<10240xf32, #tpu.memory_space<vmem>>, %arg12: memref<1x10240xf32, #tpu.memory_space<vmem>>, %arg13: memref<5120xi32, #tpu.memory_space<vmem>>, %arg14: memref<5120xi32, #tpu.memory_space<vmem>>, %arg15: memref<!tpu.dma_semaphore, #tpu.memory_space<semaphore_mem>>, %arg16: memref<!tpu.dma_semaphore, #tpu.memory_space<semaphore_mem>>) attributes {dimension_semantics = [#tpu.dimension_semantics<core_parallel>, #tpu.dimension_semantics<subcore_parallel>], iteration_bounds = array<i64: 2, 16>, scalar_prefetch = 0 : i64, scratch_operands = 9 : i64, tpu.core_type = #tpu.core_type<sc_vector_subcore>, window_params = [{transform_indices = #map}, {transform_indices = #map}, {transform_indices = #map}, {transform_indices = #map}, {transform_indices = #map}, {transform_indices = #map}]} {
    %mul3A = arith.constant 16 : i32
    %mul3A_0 = arith.muli %arg0, %mul3A : i32
    %add3A = arith.addi %mul3A_0, %arg1 : i32
    %jit3A = arith.constant 8 : i32
    %div3A = arith.divsi %add3A, %jit3A : i32
    %sign3A = arith.constant 0 : i32
    %sign3A_1 = arith.cmpi sgt, %add3A, %sign3A : i32
    %sign3A_2 = arith.extui %sign3A_1 : i1 to i32
    %sign3A_3 = arith.constant 0 : i32
    %sign3A_4 = arith.cmpi slt, %add3A, %sign3A_3 : i32
    %sign3A_5 = arith.extui %sign3A_4 : i1 to i32
    %sign3A_6 = arith.subi %sign3A_2, %sign3A_5 : i32
    %sign3A_7 = arith.constant 0 : i32
    %sign3A_8 = arith.cmpi sgt, %jit3A, %sign3A_7 : i32
    %sign3A_9 = arith.extui %sign3A_8 : i1 to i32
    %sign3A_10 = arith.constant 0 : i32
    %sign3A_11 = arith.cmpi slt, %jit3A, %sign3A_10 : i32
    %sign3A_12 = arith.extui %sign3A_11 : i1 to i32
    %sign3A_13 = arith.subi %sign3A_9, %sign3A_12 : i32
    %ne3A = arith.cmpi ne, %sign3A_6, %sign3A_13 : i32
    %rem3A = arith.remsi %add3A, %jit3A : i32
    %ne3A_14 = arith.constant 0 : i32
    %ne3A_15 = arith.cmpi ne, %rem3A, %ne3A_14 : i32
    %and3A = arith.andi %ne3A, %ne3A_15 : i1
    %sub3A = arith.constant 1 : i32
    %sub3A_16 = arith.subi %div3A, %sub3A : i32
    %select_n3A = arith.select %and3A, %sub3A_16, %div3A : i32
    %rem3A_17 = arith.constant 8 : i32
    %rem3A_18 = arith.remsi %add3A, %rem3A_17 : i32
    %eq3A = arith.constant 0 : i32
    %eq3A_19 = arith.cmpi eq, %rem3A_18, %eq3A : i32
    "tpu.region"() ({
      %run_scoped3A_58 = tpu.sem_alloc : memref<!tpu.dma_semaphore, #tpu.memory_space<semaphore_mem>>
      %dma_start3A_59 = arith.constant 0 : i32
      %dma_start3A_60 = arith.constant 0 : i32
      %dma_start3A_61 = tpu.memref_slice %arg2[%add3A, %dma_start3A_59, %dma_start3A_60] : memref<32x4x10240xf32, #tpu.memory_space<hbm>> -> memref<1x4x10240xf32, #tpu.memory_space<hbm>>
      %dma_start3A_62 = tpu.memref_squeeze %dma_start3A_61 : memref<1x4x10240xf32, #tpu.memory_space<hbm>> -> memref<4x10240xf32, #tpu.memory_space<hbm>>
      %dma_start3A_63 = arith.constant 0 : i32
      %dma_start3A_64 = arith.constant 0 : i32
      %dma_start3A_65 = tpu.memref_slice %arg2[%add3A, %dma_start3A_63, %dma_start3A_64] : memref<32x4x10240xf32, #tpu.memory_space<hbm>> -> memref<1x4x10240xf32, #tpu.memory_space<hbm>>
      %dma_start3A_66 = tpu.memref_squeeze %dma_start3A_65 : memref<1x4x10240xf32, #tpu.memory_space<hbm>> -> memref<4x10240xf32, #tpu.memory_space<hbm>>
      tpu.enqueue_dma source(%dma_start3A_66 : memref<4x10240xf32, #tpu.memory_space<hbm>>) target(%arg8 : memref<4x10240xf32, #tpu.memory_space<vmem>>) target_semaphore(%run_scoped3A_58 : memref<!tpu.dma_semaphore, #tpu.memory_space<semaphore_mem>>)
      %dma_wait3A = arith.constant 0 : i32
      %dma_wait3A_67 = arith.constant 0 : i32
      %dma_wait3A_68 = tpu.memref_slice %arg2[%add3A, %dma_wait3A, %dma_wait3A_67] : memref<32x4x10240xf32, #tpu.memory_space<hbm>> -> memref<1x4x10240xf32, #tpu.memory_space<hbm>>
      %dma_wait3A_69 = tpu.memref_squeeze %dma_wait3A_68 : memref<1x4x10240xf32, #tpu.memory_space<hbm>> -> memref<4x10240xf32, #tpu.memory_space<hbm>>
      %dma_wait3A_70 = arith.constant 0 : i32
      %dma_wait3A_71 = arith.constant 0 : i32
      %dma_wait3A_72 = tpu.memref_slice %arg2[%add3A, %dma_wait3A_70, %dma_wait3A_71] : memref<32x4x10240xf32, #tpu.memory_space<hbm>> -> memref<1x4x10240xf32, #tpu.memory_space<hbm>>
      %dma_wait3A_73 = tpu.memref_squeeze %dma_wait3A_72 : memref<1x4x10240xf32, #tpu.memory_space<hbm>> -> memref<4x10240xf32, #tpu.memory_space<hbm>>
      tpu.wait_dma2 semaphore(%run_scoped3A_58 : memref<!tpu.dma_semaphore, #tpu.memory_space<semaphore_mem>>) src(%dma_wait3A_73 : memref<4x10240xf32, #tpu.memory_space<hbm>>) dst(%arg8 : memref<4x10240xf32, #tpu.memory_space<vmem>>)
      tpu.yield
    }) : () -> ()
    %run_scoped3A = arith.constant 0 : i32
    "tpu.region"() ({
      %run_scoped3A_58 = tpu.sem_alloc : memref<!tpu.dma_semaphore, #tpu.memory_space<semaphore_mem>>
      %dma_start3A_59 = arith.constant 0 : i32
      %dma_start3A_60 = tpu.memref_slice %arg3[%select_n3A, %run_scoped3A, %dma_start3A_59] : memref<4x1x10240xf32, #tpu.memory_space<hbm>> -> memref<1x1x10240xf32, #tpu.memory_space<hbm>>
      %dma_start3A_61 = tpu.memref_squeeze %dma_start3A_60 : memref<1x1x10240xf32, #tpu.memory_space<hbm>> -> memref<10240xf32, #tpu.memory_space<hbm>>
      %dma_start3A_62 = arith.constant 0 : i32
      %dma_start3A_63 = tpu.memref_slice %arg3[%select_n3A, %run_scoped3A, %dma_start3A_62] : memref<4x1x10240xf32, #tpu.memory_space<hbm>> -> memref<1x1x10240xf32, #tpu.memory_space<hbm>>
      %dma_start3A_64 = tpu.memref_squeeze %dma_start3A_63 : memref<1x1x10240xf32, #tpu.memory_space<hbm>> -> memref<10240xf32, #tpu.memory_space<hbm>>
      tpu.enqueue_dma source(%dma_start3A_64 : memref<10240xf32, #tpu.memory_space<hbm>>) target(%arg10 : memref<10240xf32, #tpu.memory_space<vmem>>) target_semaphore(%run_scoped3A_58 : memref<!tpu.dma_semaphore, #tpu.memory_space<semaphore_mem>>)
      %dma_wait3A = arith.constant 0 : i32
      %dma_wait3A_65 = tpu.memref_slice %arg3[%select_n3A, %run_scoped3A, %dma_wait3A] : memref<4x1x10240xf32, #tpu.memory_space<hbm>> -> memref<1x1x10240xf32, #tpu.memory_space<hbm>>
      %dma_wait3A_66 = tpu.memref_squeeze %dma_wait3A_65 : memref<1x1x10240xf32, #tpu.memory_space<hbm>> -> memref<10240xf32, #tpu.memory_space<hbm>>
      %dma_wait3A_67 = arith.constant 0 : i32
      %dma_wait3A_68 = tpu.memref_slice %arg3[%select_n3A, %run_scoped3A, %dma_wait3A_67] : memref<4x1x10240xf32, #tpu.memory_space<hbm>> -> memref<1x1x10240xf32, #tpu.memory_space<hbm>>
      %dma_wait3A_69 = tpu.memref_squeeze %dma_wait3A_68 : memref<1x1x10240xf32, #tpu.memory_space<hbm>> -> memref<10240xf32, #tpu.memory_space<hbm>>
      tpu.wait_dma2 semaphore(%run_scoped3A_58 : memref<!tpu.dma_semaphore, #tpu.memory_space<semaphore_mem>>) src(%dma_wait3A_69 : memref<10240xf32, #tpu.memory_space<hbm>>) dst(%arg10 : memref<10240xf32, #tpu.memory_space<vmem>>)
      tpu.yield
    }) : () -> ()
    %run_scoped3A_20 = arith.constant 0 : i32
    "tpu.region"() ({
      %run_scoped3A_58 = tpu.sem_alloc : memref<!tpu.dma_semaphore, #tpu.memory_space<semaphore_mem>>
      %dma_start3A_59 = arith.constant 0 : i32
      %dma_start3A_60 = tpu.memref_slice %arg4[%select_n3A, %run_scoped3A_20, %dma_start3A_59] : memref<4x1x10240xf32, #tpu.memory_space<hbm>> -> memref<1x1x10240xf32, #tpu.memory_space<hbm>>
      %dma_start3A_61 = tpu.memref_squeeze %dma_start3A_60 : memref<1x1x10240xf32, #tpu.memory_space<hbm>> -> memref<10240xf32, #tpu.memory_space<hbm>>
      %dma_start3A_62 = arith.constant 0 : i32
      %dma_start3A_63 = tpu.memref_slice %arg4[%select_n3A, %run_scoped3A_20, %dma_start3A_62] : memref<4x1x10240xf32, #tpu.memory_space<hbm>> -> memref<1x1x10240xf32, #tpu.memory_space<hbm>>
      %dma_start3A_64 = tpu.memref_squeeze %dma_start3A_63 : memref<1x1x10240xf32, #tpu.memory_space<hbm>> -> memref<10240xf32, #tpu.memory_space<hbm>>
      tpu.enqueue_dma source(%dma_start3A_64 : memref<10240xf32, #tpu.memory_space<hbm>>) target(%arg11 : memref<10240xf32, #tpu.memory_space<vmem>>) target_semaphore(%run_scoped3A_58 : memref<!tpu.dma_semaphore, #tpu.memory_space<semaphore_mem>>)
      %dma_wait3A = arith.constant 0 : i32
      %dma_wait3A_65 = tpu.memref_slice %arg4[%select_n3A, %run_scoped3A_20, %dma_wait3A] : memref<4x1x10240xf32, #tpu.memory_space<hbm>> -> memref<1x1x10240xf32, #tpu.memory_space<hbm>>
      %dma_wait3A_66 = tpu.memref_squeeze %dma_wait3A_65 : memref<1x1x10240xf32, #tpu.memory_space<hbm>> -> memref<10240xf32, #tpu.memory_space<hbm>>
      %dma_wait3A_67 = arith.constant 0 : i32
      %dma_wait3A_68 = tpu.memref_slice %arg4[%select_n3A, %run_scoped3A_20, %dma_wait3A_67] : memref<4x1x10240xf32, #tpu.memory_space<hbm>> -> memref<1x1x10240xf32, #tpu.memory_space<hbm>>
      %dma_wait3A_69 = tpu.memref_squeeze %dma_wait3A_68 : memref<1x1x10240xf32, #tpu.memory_space<hbm>> -> memref<10240xf32, #tpu.memory_space<hbm>>
      tpu.wait_dma2 semaphore(%run_scoped3A_58 : memref<!tpu.dma_semaphore, #tpu.memory_space<semaphore_mem>>) src(%dma_wait3A_69 : memref<10240xf32, #tpu.memory_space<hbm>>) dst(%arg11 : memref<10240xf32, #tpu.memory_space<vmem>>)
      tpu.yield
    }) : () -> ()
    %scan3A = arith.constant 0 : i32
    %scan3A_21 = arith.constant 0 : i32
    %scan3A_22 = arith.constant 640 : i32
    %scan3A_23 = arith.addi %scan3A_21, %scan3A_22 : i32
    %scan3A_24 = arith.constant 4 : i32
    %scan3A_25 = scf.for %scan3A_58 = %scan3A_21 to %scan3A_23 step %scan3A_24 iter_args(%scan3A_59 = %scan3A) -> (i32)  : i32 {
      %broadcast_in_dim3A = arith.constant 0.000000e+00 : f32
      %broadcast_in_dim3A_60 = vector.broadcast %broadcast_in_dim3A : f32 to vector<16xf32>
      %mul3A_61 = arith.constant 16 : i32
      %mul3A_62 = arith.muli %scan3A_58, %mul3A_61 : i32
      %swap3A = arith.constant 0 : i32
      %swap3A_63 = arith.index_cast %swap3A : i32 to index
      %swap3A_64 = arith.index_cast %mul3A_62 : i32 to index
      %swap3A_65 = tpu.vector_load %arg12[%swap3A_63, %swap3A_64] {strides = array<i32>} : memref<1x10240xf32, #tpu.memory_space<vmem>>, vector<16xf32>,
      tpu.vector_store %arg12[%swap3A_63, %swap3A_64], %broadcast_in_dim3A_60 {strides = array<i32>} : memref<1x10240xf32, #tpu.memory_space<vmem>>, vector<16xf32>,
      %broadcast_in_dim3A_66 = arith.constant 0.000000e+00 : f32
      %broadcast_in_dim3A_67 = vector.broadcast %broadcast_in_dim3A_66 : f32 to vector<16xf32>
      %mul3A_68 = arith.constant 16 : i32
      %mul3A_69 = arith.muli %scan3A_58, %mul3A_68 : i32
      %swap3A_70 = arith.constant 0 : i32
      %swap3A_71 = arith.index_cast %swap3A_70 : i32 to index
      %swap3A_72 = arith.index_cast %mul3A_69 : i32 to index
      %swap3A_73 = tpu.vector_load %arg9[%swap3A_71, %swap3A_72] {strides = array<i32>} : memref<4x10240xf32, #tpu.memory_space<vmem>>, vector<16xf32>,
      tpu.vector_store %arg9[%swap3A_71, %swap3A_72], %broadcast_in_dim3A_67 {strides = array<i32>} : memref<4x10240xf32, #tpu.memory_space<vmem>>, vector<16xf32>,
      %broadcast_in_dim3A_74 = arith.constant 0.000000e+00 : f32
      %broadcast_in_dim3A_75 = vector.broadcast %broadcast_in_dim3A_74 : f32 to vector<16xf32>
      %mul3A_76 = arith.constant 16 : i32
      %mul3A_77 = arith.muli %scan3A_58, %mul3A_76 : i32
      %swap3A_78 = arith.constant 1 : i32
      %swap3A_79 = arith.index_cast %swap3A_78 : i32 to index
      %swap3A_80 = arith.index_cast %mul3A_77 : i32 to index
      %swap3A_81 = tpu.vector_load %arg9[%swap3A_79, %swap3A_80] {strides = array<i32>} : memref<4x10240xf32, #tpu.memory_space<vmem>>, vector<16xf32>,
      tpu.vector_store %arg9[%swap3A_79, %swap3A_80], %broadcast_in_dim3A_75 {strides = array<i32>} : memref<4x10240xf32, #tpu.memory_space<vmem>>, vector<16xf32>,
      %broadcast_in_dim3A_82 = arith.constant 0.000000e+00 : f32
      %broadcast_in_dim3A_83 = vector.broadcast %broadcast_in_dim3A_82 : f32 to vector<16xf32>
      %mul3A_84 = arith.constant 16 : i32
      %mul3A_85 = arith.muli %scan3A_58, %mul3A_84 : i32
      %swap3A_86 = arith.constant 2 : i32
      %swap3A_87 = arith.index_cast %swap3A_86 : i32 to index
      %swap3A_88 = arith.index_cast %mul3A_85 : i32 to index
      %swap3A_89 = tpu.vector_load %arg9[%swap3A_87, %swap3A_88] {strides = array<i32>} : memref<4x10240xf32, #tpu.memory_space<vmem>>, vector<16xf32>,
      tpu.vector_store %arg9[%swap3A_87, %swap3A_88], %broadcast_in_dim3A_83 {strides = array<i32>} : memref<4x10240xf32, #tpu.memory_space<vmem>>, vector<16xf32>,
      %broadcast_in_dim3A_90 = arith.constant 0.000000e+00 : f32
      %broadcast_in_dim3A_91 = vector.broadcast %broadcast_in_dim3A_90 : f32 to vector<16xf32>
      %mul3A_92 = arith.constant 16 : i32
      %mul3A_93 = arith.muli %scan3A_58, %mul3A_92 : i32
      %swap3A_94 = arith.constant 3 : i32
      %swap3A_95 = arith.index_cast %swap3A_94 : i32 to index
      %swap3A_96 = arith.index_cast %mul3A_93 : i32 to index
      %swap3A_97 = tpu.vector_load %arg9[%swap3A_95, %swap3A_96] {strides = array<i32>} : memref<4x10240xf32, #tpu.memory_space<vmem>>, vector<16xf32>,
      tpu.vector_store %arg9[%swap3A_95, %swap3A_96], %broadcast_in_dim3A_91 {strides = array<i32>} : memref<4x10240xf32, #tpu.memory_space<vmem>>, vector<16xf32>,
      %scan3A_98 = arith.constant 0 : i32
      %scan3A_99 = arith.constant 1 : i32
      %scan3A_100 = arith.addi %scan3A_58, %scan3A_99 : i32
      %broadcast_in_dim3A_101 = arith.constant 0.000000e+00 : f32
      %broadcast_in_dim3A_102 = vector.broadcast %broadcast_in_dim3A_101 : f32 to vector<16xf32>
      %mul3A_103 = arith.constant 16 : i32
      %mul3A_104 = arith.muli %scan3A_100, %mul3A_103 : i32
      %swap3A_105 = arith.constant 0 : i32
      %swap3A_106 = arith.index_cast %swap3A_105 : i32 to index
      %swap3A_107 = arith.index_cast %mul3A_104 : i32 to index
      %swap3A_108 = tpu.vector_load %arg12[%swap3A_106, %swap3A_107] {strides = array<i32>} : memref<1x10240xf32, #tpu.memory_space<vmem>>, vector<16xf32>,
      tpu.vector_store %arg12[%swap3A_106, %swap3A_107], %broadcast_in_dim3A_102 {strides = array<i32>} : memref<1x10240xf32, #tpu.memory_space<vmem>>, vector<16xf32>,
      %broadcast_in_dim3A_109 = arith.constant 0.000000e+00 : f32
      %broadcast_in_dim3A_110 = vector.broadcast %broadcast_in_dim3A_109 : f32 to vector<16xf32>
      %mul3A_111 = arith.constant 16 : i32
      %mul3A_112 = arith.muli %scan3A_100, %mul3A_111 : i32
      %swap3A_113 = arith.constant 0 : i32
      %swap3A_114 = arith.index_cast %swap3A_113 : i32 to index
      %swap3A_115 = arith.index_cast %mul3A_112 : i32 to index
      %swap3A_116 = tpu.vector_load %arg9[%swap3A_114, %swap3A_115] {strides = array<i32>} : memref<4x10240xf32, #tpu.memory_space<vmem>>, vector<16xf32>,
      tpu.vector_store %arg9[%swap3A_114, %swap3A_115], %broadcast_in_dim3A_110 {strides = array<i32>} : memref<4x10240xf32, #tpu.memory_space<vmem>>, vector<16xf32>,
      %broadcast_in_dim3A_117 = arith.constant 0.000000e+00 : f32
      %broadcast_in_dim3A_118 = vector.broadcast %broadcast_in_dim3A_117 : f32 to vector<16xf32>
      %mul3A_119 = arith.constant 16 : i32
      %mul3A_120 = arith.muli %scan3A_100, %mul3A_119 : i32
      %swap3A_121 = arith.constant 1 : i32
      %swap3A_122 = arith.index_cast %swap3A_121 : i32 to index
      %swap3A_123 = arith.index_cast %mul3A_120 : i32 to index
      %swap3A_124 = tpu.vector_load %arg9[%swap3A_122, %swap3A_123] {strides = array<i32>} : memref<4x10240xf32, #tpu.memory_space<vmem>>, vector<16xf32>,
      tpu.vector_store %arg9[%swap3A_122, %swap3A_123], %broadcast_in_dim3A_118 {strides = array<i32>} : memref<4x10240xf32, #tpu.memory_space<vmem>>, vector<16xf32>,
      %broadcast_in_dim3A_125 = arith.constant 0.000000e+00 : f32
      %broadcast_in_dim3A_126 = vector.broadcast %broadcast_in_dim3A_125 : f32 to vector<16xf32>
      %mul3A_127 = arith.constant 16 : i32
      %mul3A_128 = arith.muli %scan3A_100, %mul3A_127 : i32
      %swap3A_129 = arith.constant 2 : i32
      %swap3A_130 = arith.index_cast %swap3A_129 : i32 to index
      %swap3A_131 = arith.index_cast %mul3A_128 : i32 to index
      %swap3A_132 = tpu.vector_load %arg9[%swap3A_130, %swap3A_131] {strides = array<i32>} : memref<4x10240xf32, #tpu.memory_space<vmem>>, vector<16xf32>,
      tpu.vector_store %arg9[%swap3A_130, %swap3A_131], %broadcast_in_dim3A_126 {strides = array<i32>} : memref<4x10240xf32, #tpu.memory_space<vmem>>, vector<16xf32>,
      %broadcast_in_dim3A_133 = arith.constant 0.000000e+00 : f32
      %broadcast_in_dim3A_134 = vector.broadcast %broadcast_in_dim3A_133 : f32 to vector<16xf32>
      %mul3A_135 = arith.constant 16 : i32
      %mul3A_136 = arith.muli %scan3A_100, %mul3A_135 : i32
      %swap3A_137 = arith.constant 3 : i32
      %swap3A_138 = arith.index_cast %swap3A_137 : i32 to index
      %swap3A_139 = arith.index_cast %mul3A_136 : i32 to index
      %swap3A_140 = tpu.vector_load %arg9[%swap3A_138, %swap3A_139] {strides = array<i32>} : memref<4x10240xf32, #tpu.memory_space<vmem>>, vector<16xf32>,
      tpu.vector_store %arg9[%swap3A_138, %swap3A_139], %broadcast_in_dim3A_134 {strides = array<i32>} : memref<4x10240xf32, #tpu.memory_space<vmem>>, vector<16xf32>,
      %scan3A_141 = arith.constant 0 : i32
      %scan3A_142 = arith.constant 2 : i32
      %scan3A_143 = arith.addi %scan3A_58, %scan3A_142 : i32
      %broadcast_in_dim3A_144 = arith.constant 0.000000e+00 : f32
      %broadcast_in_dim3A_145 = vector.broadcast %broadcast_in_dim3A_144 : f32 to vector<16xf32>
      %mul3A_146 = arith.constant 16 : i32
      %mul3A_147 = arith.muli %scan3A_143, %mul3A_146 : i32
      %swap3A_148 = arith.constant 0 : i32
      %swap3A_149 = arith.index_cast %swap3A_148 : i32 to index
      %swap3A_150 = arith.index_cast %mul3A_147 : i32 to index
      %swap3A_151 = tpu.vector_load %arg12[%swap3A_149, %swap3A_150] {strides = array<i32>} : memref<1x10240xf32, #tpu.memory_space<vmem>>, vector<16xf32>,
      tpu.vector_store %arg12[%swap3A_149, %swap3A_150], %broadcast_in_dim3A_145 {strides = array<i32>} : memref<1x10240xf32, #tpu.memory_space<vmem>>, vector<16xf32>,
      %broadcast_in_dim3A_152 = arith.constant 0.000000e+00 : f32
      %broadcast_in_dim3A_153 = vector.broadcast %broadcast_in_dim3A_152 : f32 to vector<16xf32>
      %mul3A_154 = arith.constant 16 : i32
      %mul3A_155 = arith.muli %scan3A_143, %mul3A_154 : i32
      %swap3A_156 = arith.constant 0 : i32
      %swap3A_157 = arith.index_cast %swap3A_156 : i32 to index
      %swap3A_158 = arith.index_cast %mul3A_155 : i32 to index
      %swap3A_159 = tpu.vector_load %arg9[%swap3A_157, %swap3A_158] {strides = array<i32>} : memref<4x10240xf32, #tpu.memory_space<vmem>>, vector<16xf32>,
      tpu.vector_store %arg9[%swap3A_157, %swap3A_158], %broadcast_in_dim3A_153 {strides = array<i32>} : memref<4x10240xf32, #tpu.memory_space<vmem>>, vector<16xf32>,
      %broadcast_in_dim3A_160 = arith.constant 0.000000e+00 : f32
      %broadcast_in_dim3A_161 = vector.broadcast %broadcast_in_dim3A_160 : f32 to vector<16xf32>
      %mul3A_162 = arith.constant 16 : i32
      %mul3A_163 = arith.muli %scan3A_143, %mul3A_162 : i32
      %swap3A_164 = arith.constant 1 : i32
      %swap3A_165 = arith.index_cast %swap3A_164 : i32 to index
      %swap3A_166 = arith.index_cast %mul3A_163 : i32 to index
      %swap3A_167 = tpu.vector_load %arg9[%swap3A_165, %swap3A_166] {strides = array<i32>} : memref<4x10240xf32, #tpu.memory_space<vmem>>, vector<16xf32>,
      tpu.vector_store %arg9[%swap3A_165, %swap3A_166], %broadcast_in_dim3A_161 {strides = array<i32>} : memref<4x10240xf32, #tpu.memory_space<vmem>>, vector<16xf32>,
      %broadcast_in_dim3A_168 = arith.constant 0.000000e+00 : f32
      %broadcast_in_dim3A_169 = vector.broadcast %broadcast_in_dim3A_168 : f32 to vector<16xf32>
      %mul3A_170 = arith.constant 16 : i32
      %mul3A_171 = arith.muli %scan3A_143, %mul3A_170 : i32
      %swap3A_172 = arith.constant 2 : i32
      %swap3A_173 = arith.index_cast %swap3A_172 : i32 to index
      %swap3A_174 = arith.index_cast %mul3A_171 : i32 to index
      %swap3A_175 = tpu.vector_load %arg9[%swap3A_173, %swap3A_174] {strides = array<i32>} : memref<4x10240xf32, #tpu.memory_space<vmem>>, vector<16xf32>,
      tpu.vector_store %arg9[%swap3A_173, %swap3A_174], %broadcast_in_dim3A_169 {strides = array<i32>} : memref<4x10240xf32, #tpu.memory_space<vmem>>, vector<16xf32>,
      %broadcast_in_dim3A_176 = arith.constant 0.000000e+00 : f32
      %broadcast_in_dim3A_177 = vector.broadcast %broadcast_in_dim3A_176 : f32 to vector<16xf32>
      %mul3A_178 = arith.constant 16 : i32
      %mul3A_179 = arith.muli %scan3A_143, %mul3A_178 : i32
      %swap3A_180 = arith.constant 3 : i32
      %swap3A_181 = arith.index_cast %swap3A_180 : i32 to index
      %swap3A_182 = arith.index_cast %mul3A_179 : i32 to index
      %swap3A_183 = tpu.vector_load %arg9[%swap3A_181, %swap3A_182] {strides = array<i32>} : memref<4x10240xf32, #tpu.memory_space<vmem>>, vector<16xf32>,
      tpu.vector_store %arg9[%swap3A_181, %swap3A_182], %broadcast_in_dim3A_177 {strides = array<i32>} : memref<4x10240xf32, #tpu.memory_space<vmem>>, vector<16xf32>,
      %scan3A_184 = arith.constant 0 : i32
      %scan3A_185 = arith.constant 3 : i32
      %scan3A_186 = arith.addi %scan3A_58, %scan3A_185 : i32
      %broadcast_in_dim3A_187 = arith.constant 0.000000e+00 : f32
      %broadcast_in_dim3A_188 = vector.broadcast %broadcast_in_dim3A_187 : f32 to vector<16xf32>
      %mul3A_189 = arith.constant 16 : i32
      %mul3A_190 = arith.muli %scan3A_186, %mul3A_189 : i32
      %swap3A_191 = arith.constant 0 : i32
      %swap3A_192 = arith.index_cast %swap3A_191 : i32 to index
      %swap3A_193 = arith.index_cast %mul3A_190 : i32 to index
      %swap3A_194 = tpu.vector_load %arg12[%swap3A_192, %swap3A_193] {strides = array<i32>} : memref<1x10240xf32, #tpu.memory_space<vmem>>, vector<16xf32>,
      tpu.vector_store %arg12[%swap3A_192, %swap3A_193], %broadcast_in_dim3A_188 {strides = array<i32>} : memref<1x10240xf32, #tpu.memory_space<vmem>>, vector<16xf32>,
      %broadcast_in_dim3A_195 = arith.constant 0.000000e+00 : f32
      %broadcast_in_dim3A_196 = vector.broadcast %broadcast_in_dim3A_195 : f32 to vector<16xf32>
      %mul3A_197 = arith.constant 16 : i32
      %mul3A_198 = arith.muli %scan3A_186, %mul3A_197 : i32
      %swap3A_199 = arith.constant 0 : i32
      %swap3A_200 = arith.index_cast %swap3A_199 : i32 to index
      %swap3A_201 = arith.index_cast %mul3A_198 : i32 to index
      %swap3A_202 = tpu.vector_load %arg9[%swap3A_200, %swap3A_201] {strides = array<i32>} : memref<4x10240xf32, #tpu.memory_space<vmem>>, vector<16xf32>,
      tpu.vector_store %arg9[%swap3A_200, %swap3A_201], %broadcast_in_dim3A_196 {strides = array<i32>} : memref<4x10240xf32, #tpu.memory_space<vmem>>, vector<16xf32>,
      %broadcast_in_dim3A_203 = arith.constant 0.000000e+00 : f32
      %broadcast_in_dim3A_204 = vector.broadcast %broadcast_in_dim3A_203 : f32 to vector<16xf32>
      %mul3A_205 = arith.constant 16 : i32
      %mul3A_206 = arith.muli %scan3A_186, %mul3A_205 : i32
      %swap3A_207 = arith.constant 1 : i32
      %swap3A_208 = arith.index_cast %swap3A_207 : i32 to index
      %swap3A_209 = arith.index_cast %mul3A_206 : i32 to index
      %swap3A_210 = tpu.vector_load %arg9[%swap3A_208, %swap3A_209] {strides = array<i32>} : memref<4x10240xf32, #tpu.memory_space<vmem>>, vector<16xf32>,
      tpu.vector_store %arg9[%swap3A_208, %swap3A_209], %broadcast_in_dim3A_204 {strides = array<i32>} : memref<4x10240xf32, #tpu.memory_space<vmem>>, vector<16xf32>,
      %broadcast_in_dim3A_211 = arith.constant 0.000000e+00 : f32
      %broadcast_in_dim3A_212 = vector.broadcast %broadcast_in_dim3A_211 : f32 to vector<16xf32>
      %mul3A_213 = arith.constant 16 : i32
      %mul3A_214 = arith.muli %scan3A_186, %mul3A_213 : i32
      %swap3A_215 = arith.constant 2 : i32
      %swap3A_216 = arith.index_cast %swap3A_215 : i32 to index
      %swap3A_217 = arith.index_cast %mul3A_214 : i32 to index
      %swap3A_218 = tpu.vector_load %arg9[%swap3A_216, %swap3A_217] {strides = array<i32>} : memref<4x10240xf32, #tpu.memory_space<vmem>>, vector<16xf32>,
      tpu.vector_store %arg9[%swap3A_216, %swap3A_217], %broadcast_in_dim3A_212 {strides = array<i32>} : memref<4x10240xf32, #tpu.memory_space<vmem>>, vector<16xf32>,
      %broadcast_in_dim3A_219 = arith.constant 0.000000e+00 : f32
      %broadcast_in_dim3A_220 = vector.broadcast %broadcast_in_dim3A_219 : f32 to vector<16xf32>
      %mul3A_221 = arith.constant 16 : i32
      %mul3A_222 = arith.muli %scan3A_186, %mul3A_221 : i32
      %swap3A_223 = arith.constant 3 : i32
      %swap3A_224 = arith.index_cast %swap3A_223 : i32 to index
      %swap3A_225 = arith.index_cast %mul3A_222 : i32 to index
      %swap3A_226 = tpu.vector_load %arg9[%swap3A_224, %swap3A_225] {strides = array<i32>} : memref<4x10240xf32, #tpu.memory_space<vmem>>, vector<16xf32>,
      tpu.vector_store %arg9[%swap3A_224, %swap3A_225], %broadcast_in_dim3A_220 {strides = array<i32>} : memref<4x10240xf32, #tpu.memory_space<vmem>>, vector<16xf32>,
      %scan3A_227 = arith.constant 0 : i32
      scf.yield %scan3A_227 : i32
    }
    %scan3A_26 = arith.constant 640 : i32
    %dma_start3A = arith.constant 0 : i32
    %dma_start3A_27 = arith.constant 0 : i32
    %dma_start3A_28 = arith.constant 0 : i32
    %dma_start3A_29 = tpu.memref_slice %arg13[%dma_start3A_28] : memref<5120xi32, #tpu.memory_space<vmem>> -> memref<2560xi32, #tpu.memory_space<vmem>>
    %dma_start3A_30 = arith.constant 0 : i32
    %dma_start3A_31 = tpu.memref_slice %arg5[%dma_start3A, %dma_start3A_27, %dma_start3A_30] : memref<2x1x320000xi32, #tpu.memory_space<hbm>> -> memref<1x1x2560xi32, #tpu.memory_space<hbm>>
    %dma_start3A_32 = tpu.memref_squeeze %dma_start3A_31 : memref<1x1x2560xi32, #tpu.memory_space<hbm>> -> memref<2560xi32, #tpu.memory_space<hbm>>
    %dma_start3A_33 = arith.constant 0 : i32
    %dma_start3A_34 = tpu.memref_slice %arg13[%dma_start3A_33] : memref<5120xi32, #tpu.memory_space<vmem>> -> memref<2560xi32, #tpu.memory_space<vmem>>
    %dma_start3A_35 = arith.constant 0 : i32
    %dma_start3A_36 = tpu.memref_slice %arg5[%dma_start3A, %dma_start3A_27, %dma_start3A_35] : memref<2x1x320000xi32, #tpu.memory_space<hbm>> -> memref<1x1x2560xi32, #tpu.memory_space<hbm>>
    %dma_start3A_37 = tpu.memref_squeeze %dma_start3A_36 : memref<1x1x2560xi32, #tpu.memory_space<hbm>> -> memref<2560xi32, #tpu.memory_space<hbm>>
    tpu.enqueue_dma source(%dma_start3A_37 : memref<2560xi32, #tpu.memory_space<hbm>>) target(%dma_start3A_34 : memref<2560xi32, #tpu.memory_space<vmem>>) target_semaphore(%arg15 : memref<!tpu.dma_semaphore, #tpu.memory_space<semaphore_mem>>)
    %dma_start3A_38 = arith.constant 1 : i32
    %dma_start3A_39 = arith.constant 0 : i32
    %dma_start3A_40 = arith.constant 0 : i32
    %dma_start3A_41 = tpu.memref_slice %arg14[%dma_start3A_40] : memref<5120xi32, #tpu.memory_space<vmem>> -> memref<2560xi32, #tpu.memory_space<vmem>>
    %dma_start3A_42 = arith.constant 0 : i32
    %dma_start3A_43 = tpu.memref_slice %arg5[%dma_start3A_38, %dma_start3A_39, %dma_start3A_42] : memref<2x1x320000xi32, #tpu.memory_space<hbm>> -> memref<1x1x2560xi32, #tpu.memory_space<hbm>>
    %dma_start3A_44 = tpu.memref_squeeze %dma_start3A_43 : memref<1x1x2560xi32, #tpu.memory_space<hbm>> -> memref<2560xi32, #tpu.memory_space<hbm>>
    %dma_start3A_45 = arith.constant 0 : i32
    %dma_start3A_46 = tpu.memref_slice %arg14[%dma_start3A_45] : memref<5120xi32, #tpu.memory_space<vmem>> -> memref<2560xi32, #tpu.memory_space<vmem>>
    %dma_start3A_47 = arith.constant 0 : i32
    %dma_start3A_48 = tpu.memref_slice %arg5[%dma_start3A_38, %dma_start3A_39, %dma_start3A_47] : memref<2x1x320000xi32, #tpu.memory_space<hbm>> -> memref<1x1x2560xi32, #tpu.memory_space<hbm>>
    %dma_start3A_49 = tpu.memref_squeeze %dma_start3A_48 : memref<1x1x2560xi32, #tpu.memory_space<hbm>> -> memref<2560xi32, #tpu.memory_space<hbm>>
    tpu.enqueue_dma source(%dma_start3A_49 : memref<2560xi32, #tpu.memory_space<hbm>>) target(%dma_start3A_46 : memref<2560xi32, #tpu.memory_space<vmem>>) target_semaphore(%arg16 : memref<!tpu.dma_semaphore, #tpu.memory_space<semaphore_mem>>)
    %scan3A_50 = arith.constant 0 : i32
    %scan3A_51 = arith.constant 0 : i32
    %scan3A_52 = arith.constant 125 : i32
    %scan3A_53 = arith.addi %scan3A_51, %scan3A_52 : i32
    %scan3A_54 = arith.constant 1 : i32
    %scan3A_55 = scf.for %scan3A_58 = %scan3A_51 to %scan3A_53 step %scan3A_54 iter_args(%scan3A_59 = %scan3A_50) -> (i32)  : i32 {
      %rem3A_60 = arith.constant 2 : i32
      %rem3A_61 = arith.remsi %scan3A_58, %rem3A_60 : i32
      %add3A_62 = arith.constant 1 : i32
      %add3A_63 = arith.addi %scan3A_58, %add3A_62 : i32
      %lt3A = arith.constant 125 : i32
      %lt3A_64 = arith.cmpi slt, %add3A_63, %lt3A : i32
      %convert_element_type3A_65 = arith.extui %lt3A_64 : i1 to i32
      %cond3A_66 = arith.constant 0 : i32
      %cond3A_67 = arith.cmpi ne, %convert_element_type3A_65, %cond3A_66 : i32
      scf.if %cond3A_67 {
        %add3A_99 = arith.constant 1 : i32
        %add3A_100 = arith.addi %scan3A_58, %add3A_99 : i32
        %add3A_101 = arith.constant 1 : i32
        %add3A_102 = arith.addi %scan3A_58, %add3A_101 : i32
        %rem3A_103 = arith.constant 2 : i32
        %rem3A_104 = arith.remsi %add3A_102, %rem3A_103 : i32
        %mul3A_105 = arith.constant 2560 : i32
        %mul3A_106 = arith.muli %add3A_100, %mul3A_105 : i32
        %mul3A_107 = arith.constant 2560 : i32
        %mul3A_108 = arith.muli %rem3A_104, %mul3A_107 : i32
        %mul3A_109 = arith.constant 2560 : i32
        %mul3A_110 = arith.muli %rem3A_104, %mul3A_109 : i32
        %dma_start3A_111 = arith.constant 0 : i32
        %dma_start3A_112 = arith.constant 0 : i32
        %dma_start3A_113 = tpu.memref_slice %arg13[%mul3A_108] : memref<5120xi32, #tpu.memory_space<vmem>> -> memref<2560xi32, #tpu.memory_space<vmem>>
        %dma_start3A_114 = tpu.memref_slice %arg5[%dma_start3A_111, %dma_start3A_112, %mul3A_106] : memref<2x1x320000xi32, #tpu.memory_space<hbm>> -> memref<1x1x2560xi32, #tpu.memory_space<hbm>>
        %dma_start3A_115 = tpu.memref_squeeze %dma_start3A_114 : memref<1x1x2560xi32, #tpu.memory_space<hbm>> -> memref<2560xi32, #tpu.memory_space<hbm>>
        %dma_start3A_116 = tpu.memref_slice %arg13[%mul3A_108] : memref<5120xi32, #tpu.memory_space<vmem>> -> memref<2560xi32, #tpu.memory_space<vmem>>
        %dma_start3A_117 = tpu.memref_slice %arg5[%dma_start3A_111, %dma_start3A_112, %mul3A_106] : memref<2x1x320000xi32, #tpu.memory_space<hbm>> -> memref<1x1x2560xi32, #tpu.memory_space<hbm>>
        %dma_start3A_118 = tpu.memref_squeeze %dma_start3A_117 : memref<1x1x2560xi32, #tpu.memory_space<hbm>> -> memref<2560xi32, #tpu.memory_space<hbm>>
        tpu.enqueue_dma source(%dma_start3A_118 : memref<2560xi32, #tpu.memory_space<hbm>>) target(%dma_start3A_116 : memref<2560xi32, #tpu.memory_space<vmem>>) target_semaphore(%arg15 : memref<!tpu.dma_semaphore, #tpu.memory_space<semaphore_mem>>)
        %dma_start3A_119 = arith.constant 1 : i32
        %dma_start3A_120 = arith.constant 0 : i32
        %dma_start3A_121 = tpu.memref_slice %arg14[%mul3A_110] : memref<5120xi32, #tpu.memory_space<vmem>> -> memref<2560xi32, #tpu.memory_space<vmem>>
        %dma_start3A_122 = tpu.memref_slice %arg5[%dma_start3A_119, %dma_start3A_120, %mul3A_106] : memref<2x1x320000xi32, #tpu.memory_space<hbm>> -> memref<1x1x2560xi32, #tpu.memory_space<hbm>>
        %dma_start3A_123 = tpu.memref_squeeze %dma_start3A_122 : memref<1x1x2560xi32, #tpu.memory_space<hbm>> -> memref<2560xi32, #tpu.memory_space<hbm>>
        %dma_start3A_124 = tpu.memref_slice %arg14[%mul3A_110] : memref<5120xi32, #tpu.memory_space<vmem>> -> memref<2560xi32, #tpu.memory_space<vmem>>
        %dma_start3A_125 = tpu.memref_slice %arg5[%dma_start3A_119, %dma_start3A_120, %mul3A_106] : memref<2x1x320000xi32, #tpu.memory_space<hbm>> -> memref<1x1x2560xi32, #tpu.memory_space<hbm>>
        %dma_start3A_126 = tpu.memref_squeeze %dma_start3A_125 : memref<1x1x2560xi32, #tpu.memory_space<hbm>> -> memref<2560xi32, #tpu.memory_space<hbm>>
        tpu.enqueue_dma source(%dma_start3A_126 : memref<2560xi32, #tpu.memory_space<hbm>>) target(%dma_start3A_124 : memref<2560xi32, #tpu.memory_space<vmem>>) target_semaphore(%arg16 : memref<!tpu.dma_semaphore, #tpu.memory_space<semaphore_mem>>)
      } else {
      }
      %mul3A_68 = arith.constant 2560 : i32
      %mul3A_69 = arith.muli %scan3A_58, %mul3A_68 : i32
      %mul3A_70 = arith.constant 2560 : i32
      %mul3A_71 = arith.muli %rem3A_61, %mul3A_70 : i32
      %mul3A_72 = arith.constant 2560 : i32
      %mul3A_73 = arith.muli %rem3A_61, %mul3A_72 : i32
      %dma_wait3A = arith.constant 0 : i32
      %dma_wait3A_74 = arith.constant 0 : i32
      %dma_wait3A_75 = tpu.memref_slice %arg13[%mul3A_71] : memref<5120xi32, #tpu.memory_space<vmem>> -> memref<2560xi32, #tpu.memory_space<vmem>>
      %dma_wait3A_76 = tpu.memref_slice %arg5[%dma_wait3A, %dma_wait3A_74, %mul3A_69] : memref<2x1x320000xi32, #tpu.memory_space<hbm>> -> memref<1x1x2560xi32, #tpu.memory_space<hbm>>
      %dma_wait3A_77 = tpu.memref_squeeze %dma_wait3A_76 : memref<1x1x2560xi32, #tpu.memory_space<hbm>> -> memref<2560xi32, #tpu.memory_space<hbm>>
      %dma_wait3A_78 = tpu.memref_slice %arg13[%mul3A_71] : memref<5120xi32, #tpu.memory_space<vmem>> -> memref<2560xi32, #tpu.memory_space<vmem>>
      %dma_wait3A_79 = tpu.memref_slice %arg5[%dma_wait3A, %dma_wait3A_74, %mul3A_69] : memref<2x1x320000xi32, #tpu.memory_space<hbm>> -> memref<1x1x2560xi32, #tpu.memory_space<hbm>>
      %dma_wait3A_80 = tpu.memref_squeeze %dma_wait3A_79 : memref<1x1x2560xi32, #tpu.memory_space<hbm>> -> memref<2560xi32, #tpu.memory_space<hbm>>
      tpu.wait_dma2 semaphore(%arg15 : memref<!tpu.dma_semaphore, #tpu.memory_space<semaphore_mem>>) src(%dma_wait3A_80 : memref<2560xi32, #tpu.memory_space<hbm>>) dst(%dma_wait3A_78 : memref<2560xi32, #tpu.memory_space<vmem>>)
      %dma_wait3A_81 = arith.constant 1 : i32
      %dma_wait3A_82 = arith.constant 0 : i32
      %dma_wait3A_83 = tpu.memref_slice %arg14[%mul3A_73] : memref<5120xi32, #tpu.memory_space<vmem>> -> memref<2560xi32, #tpu.memory_space<vmem>>
      %dma_wait3A_84 = tpu.memref_slice %arg5[%dma_wait3A_81, %dma_wait3A_82, %mul3A_69] : memref<2x1x320000xi32, #tpu.memory_space<hbm>> -> memref<1x1x2560xi32, #tpu.memory_space<hbm>>
      %dma_wait3A_85 = tpu.memref_squeeze %dma_wait3A_84 : memref<1x1x2560xi32, #tpu.memory_space<hbm>> -> memref<2560xi32, #tpu.memory_space<hbm>>
      %dma_wait3A_86 = tpu.memref_slice %arg14[%mul3A_73] : memref<5120xi32, #tpu.memory_space<vmem>> -> memref<2560xi32, #tpu.memory_space<vmem>>
      %dma_wait3A_87 = tpu.memref_slice %arg5[%dma_wait3A_81, %dma_wait3A_82, %mul3A_69] : memref<2x1x320000xi32, #tpu.memory_space<hbm>> -> memref<1x1x2560xi32, #tpu.memory_space<hbm>>
      %dma_wait3A_88 = tpu.memref_squeeze %dma_wait3A_87 : memref<1x1x2560xi32, #tpu.memory_space<hbm>> -> memref<2560xi32, #tpu.memory_space<hbm>>
      tpu.wait_dma2 semaphore(%arg16 : memref<!tpu.dma_semaphore, #tpu.memory_space<semaphore_mem>>) src(%dma_wait3A_88 : memref<2560xi32, #tpu.memory_space<hbm>>) dst(%dma_wait3A_86 : memref<2560xi32, #tpu.memory_space<vmem>>)
      %mul3A_89 = arith.constant 2560 : i32
      %mul3A_90 = arith.muli %rem3A_61, %mul3A_89 : i32
      %scan3A_91 = arith.constant 0 : i32
      %scan3A_92 = arith.constant 0 : i32
      %scan3A_93 = arith.constant 160 : i32
      %scan3A_94 = arith.addi %scan3A_92, %scan3A_93 : i32
      %scan3A_95 = arith.constant 2 : i32
      %scan3A_96 = scf.for %scan3A_99 = %scan3A_92 to %scan3A_94 step %scan3A_95 iter_args(%scan3A_100 = %scan3A_91) -> (i32)  : i32 {
        %mul3A_101 = arith.constant 16 : i32
        %mul3A_102 = arith.muli %scan3A_99, %mul3A_101 : i32
        %add3A_103 = arith.addi %mul3A_90, %mul3A_102 : i32
        %get3A = arith.index_cast %add3A_103 : i32 to index
        %get3A_104 = tpu.vector_load %arg13[%get3A] {strides = array<i32>} : memref<5120xi32, #tpu.memory_space<vmem>>, vector<16xi32>,
        %mul3A_105 = arith.constant 16 : i32
        %mul3A_106 = arith.muli %scan3A_99, %mul3A_105 : i32
        %add3A_107 = arith.addi %mul3A_90, %mul3A_106 : i32
        %get3A_108 = arith.index_cast %add3A_107 : i32 to index
        %get3A_109 = tpu.vector_load %arg14[%get3A_108] {strides = array<i32>} : memref<5120xi32, #tpu.memory_space<vmem>>, vector<16xi32>,
        %gather3A = tpu.vector_load_idx %arg10[%get3A_104] : memref<10240xf32, #tpu.memory_space<vmem>>[vector<16xi32>], vector<16xf32>,
        %gather3A_110 = tpu.vector_load_idx %arg11[%get3A_109] : memref<10240xf32, #tpu.memory_space<vmem>>[vector<16xi32>], vector<16xf32>,
        %add3A_111 = arith.addf %gather3A, %gather3A_110 : vector<16xf32>
        %mul3A_112 = arith.constant 0.00999999977 : f32
        %mul3A_113 = vector.broadcast %mul3A_112 : f32 to vector<16xf32>
        %mul3A_114 = arith.mulf %mul3A_113, %add3A_111 : vector<16xf32>
        %max3A = arith.maximumf %add3A_111, %mul3A_114 : vector<16xf32>
        %exp3A = math.exp %max3A : vector<16xf32>
        %convert_element_type3A_115 = arith.extui %eq3A_19 : i1 to i32
        %cond3A_116 = arith.constant 0 : i32
        %cond3A_117 = arith.cmpi ne, %convert_element_type3A_115, %cond3A_116 : i32
        scf.if %cond3A_117 {
          %broadcast_in_dim3A_174 = arith.constant 0 : i32
          %broadcast_in_dim3A_175 = vector.broadcast %broadcast_in_dim3A_174 : i32 to vector<16xi32>
          tpu.vector_store_idx %arg12[%broadcast_in_dim3A_175, %get3A_109], %exp3A {add = true} : memref<1x10240xf32, #tpu.memory_space<vmem>>[vector<16xi32>, vector<16xi32>], vector<16xf32>,
        } else {
        }
        %broadcast_in_dim3A = arith.constant 0 : i32
        %broadcast_in_dim3A_118 = vector.broadcast %broadcast_in_dim3A : i32 to vector<16xi32>
        %gather3A_119 = tpu.vector_load_idx %arg8[%broadcast_in_dim3A_118, %get3A_104] : memref<4x10240xf32, #tpu.memory_space<vmem>>[vector<16xi32>, vector<16xi32>], vector<16xf32>,
        %mul3A_120 = arith.mulf %gather3A_119, %exp3A : vector<16xf32>
        tpu.vector_store_idx %arg9[%broadcast_in_dim3A_118, %get3A_109], %mul3A_120 {add = true} : memref<4x10240xf32, #tpu.memory_space<vmem>>[vector<16xi32>, vector<16xi32>], vector<16xf32>,
        %broadcast_in_dim3A_121 = arith.constant 1 : i32
        %broadcast_in_dim3A_122 = vector.broadcast %broadcast_in_dim3A_121 : i32 to vector<16xi32>
        %gather3A_123 = tpu.vector_load_idx %arg8[%broadcast_in_dim3A_122, %get3A_104] : memref<4x10240xf32, #tpu.memory_space<vmem>>[vector<16xi32>, vector<16xi32>], vector<16xf32>,
        %mul3A_124 = arith.mulf %gather3A_123, %exp3A : vector<16xf32>
        tpu.vector_store_idx %arg9[%broadcast_in_dim3A_122, %get3A_109], %mul3A_124 {add = true} : memref<4x10240xf32, #tpu.memory_space<vmem>>[vector<16xi32>, vector<16xi32>], vector<16xf32>,
        %broadcast_in_dim3A_125 = arith.constant 2 : i32
        %broadcast_in_dim3A_126 = vector.broadcast %broadcast_in_dim3A_125 : i32 to vector<16xi32>
        %gather3A_127 = tpu.vector_load_idx %arg8[%broadcast_in_dim3A_126, %get3A_104] : memref<4x10240xf32, #tpu.memory_space<vmem>>[vector<16xi32>, vector<16xi32>], vector<16xf32>,
        %mul3A_128 = arith.mulf %gather3A_127, %exp3A : vector<16xf32>
        tpu.vector_store_idx %arg9[%broadcast_in_dim3A_126, %get3A_109], %mul3A_128 {add = true} : memref<4x10240xf32, #tpu.memory_space<vmem>>[vector<16xi32>, vector<16xi32>], vector<16xf32>,
        %broadcast_in_dim3A_129 = arith.constant 3 : i32
        %broadcast_in_dim3A_130 = vector.broadcast %broadcast_in_dim3A_129 : i32 to vector<16xi32>
        %gather3A_131 = tpu.vector_load_idx %arg8[%broadcast_in_dim3A_130, %get3A_104] : memref<4x10240xf32, #tpu.memory_space<vmem>>[vector<16xi32>, vector<16xi32>], vector<16xf32>,
        %mul3A_132 = arith.mulf %gather3A_131, %exp3A : vector<16xf32>
        tpu.vector_store_idx %arg9[%broadcast_in_dim3A_130, %get3A_109], %mul3A_132 {add = true} : memref<4x10240xf32, #tpu.memory_space<vmem>>[vector<16xi32>, vector<16xi32>], vector<16xf32>,
        %scan3A_133 = arith.constant 0 : i32
        %scan3A_134 = arith.constant 1 : i32
        %scan3A_135 = arith.addi %scan3A_99, %scan3A_134 : i32
        %mul3A_136 = arith.constant 16 : i32
        %mul3A_137 = arith.muli %scan3A_135, %mul3A_136 : i32
        %add3A_138 = arith.addi %mul3A_90, %mul3A_137 : i32
        %get3A_139 = arith.index_cast %add3A_138 : i32 to index
        %get3A_140 = tpu.vector_load %arg13[%get3A_139] {strides = array<i32>} : memref<5120xi32, #tpu.memory_space<vmem>>, vector<16xi32>,
        %mul3A_141 = arith.constant 16 : i32
        %mul3A_142 = arith.muli %scan3A_135, %mul3A_141 : i32
        %add3A_143 = arith.addi %mul3A_90, %mul3A_142 : i32
        %get3A_144 = arith.index_cast %add3A_143 : i32 to index
        %get3A_145 = tpu.vector_load %arg14[%get3A_144] {strides = array<i32>} : memref<5120xi32, #tpu.memory_space<vmem>>, vector<16xi32>,
        %gather3A_146 = tpu.vector_load_idx %arg10[%get3A_140] : memref<10240xf32, #tpu.memory_space<vmem>>[vector<16xi32>], vector<16xf32>,
        %gather3A_147 = tpu.vector_load_idx %arg11[%get3A_145] : memref<10240xf32, #tpu.memory_space<vmem>>[vector<16xi32>], vector<16xf32>,
        %add3A_148 = arith.addf %gather3A_146, %gather3A_147 : vector<16xf32>
        %mul3A_149 = arith.constant 0.00999999977 : f32
        %mul3A_150 = vector.broadcast %mul3A_149 : f32 to vector<16xf32>
        %mul3A_151 = arith.mulf %mul3A_150, %add3A_148 : vector<16xf32>
        %max3A_152 = arith.maximumf %add3A_148, %mul3A_151 : vector<16xf32>
        %exp3A_153 = math.exp %max3A_152 : vector<16xf32>
        %convert_element_type3A_154 = arith.extui %eq3A_19 : i1 to i32
        %cond3A_155 = arith.constant 0 : i32
        %cond3A_156 = arith.cmpi ne, %convert_element_type3A_154, %cond3A_155 : i32
        scf.if %cond3A_156 {
          %broadcast_in_dim3A_174 = arith.constant 0 : i32
          %broadcast_in_dim3A_175 = vector.broadcast %broadcast_in_dim3A_174 : i32 to vector<16xi32>
          tpu.vector_store_idx %arg12[%broadcast_in_dim3A_175, %get3A_145], %exp3A_153 {add = true} : memref<1x10240xf32, #tpu.memory_space<vmem>>[vector<16xi32>, vector<16xi32>], vector<16xf32>,
        } else {
        }
        %broadcast_in_dim3A_157 = arith.constant 0 : i32
        %broadcast_in_dim3A_158 = vector.broadcast %broadcast_in_dim3A_157 : i32 to vector<16xi32>
        %gather3A_159 = tpu.vector_load_idx %arg8[%broadcast_in_dim3A_158, %get3A_140] : memref<4x10240xf32, #tpu.memory_space<vmem>>[vector<16xi32>, vector<16xi32>], vector<16xf32>,
        %mul3A_160 = arith.mulf %gather3A_159, %exp3A_153 : vector<16xf32>
        tpu.vector_store_idx %arg9[%broadcast_in_dim3A_158, %get3A_145], %mul3A_160 {add = true} : memref<4x10240xf32, #tpu.memory_space<vmem>>[vector<16xi32>, vector<16xi32>], vector<16xf32>,
        %broadcast_in_dim3A_161 = arith.constant 1 : i32
        %broadcast_in_dim3A_162 = vector.broadcast %broadcast_in_dim3A_161 : i32 to vector<16xi32>
        %gather3A_163 = tpu.vector_load_idx %arg8[%broadcast_in_dim3A_162, %get3A_140] : memref<4x10240xf32, #tpu.memory_space<vmem>>[vector<16xi32>, vector<16xi32>], vector<16xf32>,
        %mul3A_164 = arith.mulf %gather3A_163, %exp3A_153 : vector<16xf32>
        tpu.vector_store_idx %arg9[%broadcast_in_dim3A_162, %get3A_145], %mul3A_164 {add = true} : memref<4x10240xf32, #tpu.memory_space<vmem>>[vector<16xi32>, vector<16xi32>], vector<16xf32>,
        %broadcast_in_dim3A_165 = arith.constant 2 : i32
        %broadcast_in_dim3A_166 = vector.broadcast %broadcast_in_dim3A_165 : i32 to vector<16xi32>
        %gather3A_167 = tpu.vector_load_idx %arg8[%broadcast_in_dim3A_166, %get3A_140] : memref<4x10240xf32, #tpu.memory_space<vmem>>[vector<16xi32>, vector<16xi32>], vector<16xf32>,
        %mul3A_168 = arith.mulf %gather3A_167, %exp3A_153 : vector<16xf32>
        tpu.vector_store_idx %arg9[%broadcast_in_dim3A_166, %get3A_145], %mul3A_168 {add = true} : memref<4x10240xf32, #tpu.memory_space<vmem>>[vector<16xi32>, vector<16xi32>], vector<16xf32>,
        %broadcast_in_dim3A_169 = arith.constant 3 : i32
        %broadcast_in_dim3A_170 = vector.broadcast %broadcast_in_dim3A_169 : i32 to vector<16xi32>
        %gather3A_171 = tpu.vector_load_idx %arg8[%broadcast_in_dim3A_170, %get3A_140] : memref<4x10240xf32, #tpu.memory_space<vmem>>[vector<16xi32>, vector<16xi32>], vector<16xf32>,
        %mul3A_172 = arith.mulf %gather3A_171, %exp3A_153 : vector<16xf32>
        tpu.vector_store_idx %arg9[%broadcast_in_dim3A_170, %get3A_145], %mul3A_172 {add = true} : memref<4x10240xf32, #tpu.memory_space<vmem>>[vector<16xi32>, vector<16xi32>], vector<16xf32>,
        %scan3A_173 = arith.constant 0 : i32
        scf.yield %scan3A_173 : i32
      }
      %scan3A_97 = arith.constant 160 : i32
      %scan3A_98 = arith.constant 0 : i32
      scf.yield %scan3A_98 : i32
    }
    %scan3A_56 = arith.constant 125 : i32
    "tpu.region"() ({
      %run_scoped3A_58 = tpu.sem_alloc : memref<!tpu.dma_semaphore, #tpu.memory_space<semaphore_mem>>
      %dma_start3A_59 = arith.constant 0 : i32
      %dma_start3A_60 = arith.constant 0 : i32
      %dma_start3A_61 = tpu.memref_slice %arg6[%add3A, %dma_start3A_59, %dma_start3A_60] : memref<32x4x10240xf32, #tpu.memory_space<hbm>> -> memref<1x4x10240xf32, #tpu.memory_space<hbm>>
      %dma_start3A_62 = tpu.memref_squeeze %dma_start3A_61 : memref<1x4x10240xf32, #tpu.memory_space<hbm>> -> memref<4x10240xf32, #tpu.memory_space<hbm>>
      %dma_start3A_63 = arith.constant 0 : i32
      %dma_start3A_64 = arith.constant 0 : i32
      %dma_start3A_65 = tpu.memref_slice %arg6[%add3A, %dma_start3A_63, %dma_start3A_64] : memref<32x4x10240xf32, #tpu.memory_space<hbm>> -> memref<1x4x10240xf32, #tpu.memory_space<hbm>>
      %dma_start3A_66 = tpu.memref_squeeze %dma_start3A_65 : memref<1x4x10240xf32, #tpu.memory_space<hbm>> -> memref<4x10240xf32, #tpu.memory_space<hbm>>
      tpu.enqueue_dma source(%arg9 : memref<4x10240xf32, #tpu.memory_space<vmem>>) target(%dma_start3A_66 : memref<4x10240xf32, #tpu.memory_space<hbm>>) target_semaphore(%run_scoped3A_58 : memref<!tpu.dma_semaphore, #tpu.memory_space<semaphore_mem>>)
      %dma_wait3A = arith.constant 0 : i32
      %dma_wait3A_67 = arith.constant 0 : i32
      %dma_wait3A_68 = tpu.memref_slice %arg6[%add3A, %dma_wait3A, %dma_wait3A_67] : memref<32x4x10240xf32, #tpu.memory_space<hbm>> -> memref<1x4x10240xf32, #tpu.memory_space<hbm>>
      %dma_wait3A_69 = tpu.memref_squeeze %dma_wait3A_68 : memref<1x4x10240xf32, #tpu.memory_space<hbm>> -> memref<4x10240xf32, #tpu.memory_space<hbm>>
      %dma_wait3A_70 = arith.constant 0 : i32
      %dma_wait3A_71 = arith.constant 0 : i32
      %dma_wait3A_72 = tpu.memref_slice %arg6[%add3A, %dma_wait3A_70, %dma_wait3A_71] : memref<32x4x10240xf32, #tpu.memory_space<hbm>> -> memref<1x4x10240xf32, #tpu.memory_space<hbm>>
      %dma_wait3A_73 = tpu.memref_squeeze %dma_wait3A_72 : memref<1x4x10240xf32, #tpu.memory_space<hbm>> -> memref<4x10240xf32, #tpu.memory_space<hbm>>
      tpu.wait_dma2 semaphore(%run_scoped3A_58 : memref<!tpu.dma_semaphore, #tpu.memory_space<semaphore_mem>>) src(%arg9 : memref<4x10240xf32, #tpu.memory_space<vmem>>) dst(%dma_wait3A_73 : memref<4x10240xf32, #tpu.memory_space<hbm>>)
      tpu.yield
    }) : () -> ()
    %convert_element_type3A = arith.extui %eq3A_19 : i1 to i32
    %cond3A = arith.constant 0 : i32
    %cond3A_57 = arith.cmpi ne, %convert_element_type3A, %cond3A : i32
    scf.if %cond3A_57 {
      "tpu.region"() ({
        %run_scoped3A_58 = tpu.sem_alloc : memref<!tpu.dma_semaphore, #tpu.memory_space<semaphore_mem>>
        %dma_start3A_59 = arith.constant 0 : i32
        %dma_start3A_60 = arith.constant 0 : i32
        %dma_start3A_61 = tpu.memref_slice %arg7[%select_n3A, %dma_start3A_59, %dma_start3A_60] : memref<4x1x10240xf32, #tpu.memory_space<hbm>> -> memref<1x1x10240xf32, #tpu.memory_space<hbm>>
        %dma_start3A_62 = tpu.memref_squeeze %dma_start3A_61 : memref<1x1x10240xf32, #tpu.memory_space<hbm>> -> memref<1x10240xf32, #tpu.memory_space<hbm>>
        %dma_start3A_63 = arith.constant 0 : i32
        %dma_start3A_64 = arith.constant 0 : i32
        %dma_start3A_65 = tpu.memref_slice %arg7[%select_n3A, %dma_start3A_63, %dma_start3A_64] : memref<4x1x10240xf32, #tpu.memory_space<hbm>> -> memref<1x1x10240xf32, #tpu.memory_space<hbm>>
        %dma_start3A_66 = tpu.memref_squeeze %dma_start3A_65 : memref<1x1x10240xf32, #tpu.memory_space<hbm>> -> memref<1x10240xf32, #tpu.memory_space<hbm>>
        tpu.enqueue_dma source(%arg12 : memref<1x10240xf32, #tpu.memory_space<vmem>>) target(%dma_start3A_66 : memref<1x10240xf32, #tpu.memory_space<hbm>>) target_semaphore(%run_scoped3A_58 : memref<!tpu.dma_semaphore, #tpu.memory_space<semaphore_mem>>)
        %dma_wait3A = arith.constant 0 : i32
        %dma_wait3A_67 = arith.constant 0 : i32
        %dma_wait3A_68 = tpu.memref_slice %arg7[%select_n3A, %dma_wait3A, %dma_wait3A_67] : memref<4x1x10240xf32, #tpu.memory_space<hbm>> -> memref<1x1x10240xf32, #tpu.memory_space<hbm>>
        %dma_wait3A_69 = tpu.memref_squeeze %dma_wait3A_68 : memref<1x1x10240xf32, #tpu.memory_space<hbm>> -> memref<1x10240xf32, #tpu.memory_space<hbm>>
        %dma_wait3A_70 = arith.constant 0 : i32
        %dma_wait3A_71 = arith.constant 0 : i32
        %dma_wait3A_72 = tpu.memref_slice %arg7[%select_n3A, %dma_wait3A_70, %dma_wait3A_71] : memref<4x1x10240xf32, #tpu.memory_space<hbm>> -> memref<1x1x10240xf32, #tpu.memory_space<hbm>>
        %dma_wait3A_73 = tpu.memref_squeeze %dma_wait3A_72 : memref<1x1x10240xf32, #tpu.memory_space<hbm>> -> memref<1x10240xf32, #tpu.memory_space<hbm>>
        tpu.wait_dma2 semaphore(%run_scoped3A_58 : memref<!tpu.dma_semaphore, #tpu.memory_space<semaphore_mem>>) src(%arg12 : memref<1x10240xf32, #tpu.memory_space<vmem>>) dst(%dma_wait3A_73 : memref<1x10240xf32, #tpu.memory_space<hbm>>)
        tpu.yield
      }) : () -> ()
    } else {
    }
    return
  }
}

module attributes {stable_mosaic.version = 14 : i64} {
  func.func @_time_enc_body(%arg0: i32, %arg1: memref<1x3200xf32, #tpu.memory_space<vmem>>, %arg2: memref<16x1xf32, #tpu.memory_space<vmem>>, %arg3: memref<16x1xf32, #tpu.memory_space<vmem>>, %arg4: memref<16x3200xf32, #tpu.memory_space<vmem>>) attributes {dimension_semantics = [#tpu.dimension_semantics<arbitrary>], iteration_bounds = array<i64: 100>, scalar_prefetch = 0 : i64, scratch_operands = 0 : i64, tpu.core_type = #tpu.core_type<tc>, window_params = [{transform_indices = @transform_0, window_bounds = array<i64: 1, 3200>}, {pipeline_mode = #tpu.pipeline_mode<synchronous>, transform_indices = @transform_1, window_bounds = array<i64: 16, 1>}, {pipeline_mode = #tpu.pipeline_mode<synchronous>, transform_indices = @transform_2, window_bounds = array<i64: 16, 1>}, {transform_indices = @transform_3, window_bounds = array<i64: 16, 3200>}]} {
    %get3A = arith.constant 0 : index
    %get3A_0 = arith.constant 0 : index
    %get3A_1 = vector.load %arg1[%get3A, %get3A_0] : memref<1x3200xf32, #tpu.memory_space<vmem>>, vector<1x3200xf32>
    %get3A_2 = arith.constant 0 : index
    %get3A_3 = arith.constant 0 : index
    %get3A_4 = vector.load %arg2[%get3A_2, %get3A_3] : memref<16x1xf32, #tpu.memory_space<vmem>>, vector<16x1xf32>
    %mul3A = vector.broadcast %get3A_1 : vector<1x3200xf32> to vector<16x3200xf32>
    %mul3A_5 = vector.broadcast %get3A_4 : vector<16x1xf32> to vector<16x3200xf32>
    %mul3A_6 = arith.mulf %mul3A, %mul3A_5 : vector<16x3200xf32>
    %get3A_7 = arith.constant 0 : index
    %get3A_8 = arith.constant 0 : index
    %get3A_9 = vector.load %arg3[%get3A_7, %get3A_8] : memref<16x1xf32, #tpu.memory_space<vmem>>, vector<16x1xf32>
    %add3A = vector.broadcast %get3A_9 : vector<16x1xf32> to vector<16x3200xf32>
    %add3A_10 = arith.addf %mul3A_6, %add3A : vector<16x3200xf32>
    %cos3A = math.cos %add3A_10 : vector<16x3200xf32>
    %swap3A = arith.constant 0 : index
    %swap3A_11 = arith.constant 0 : index
    %swap3A_12 = vector.load %arg4[%swap3A, %swap3A_11] : memref<16x3200xf32, #tpu.memory_space<vmem>>, vector<16x3200xf32>
    tpu.vector_store %arg4[%swap3A, %swap3A_11], %cos3A {strides = array<i32>} : memref<16x3200xf32, #tpu.memory_space<vmem>>, vector<16x3200xf32>,
    return
  }
  func.func @transform_0(%arg0: i32) -> (i32, i32) {
    %c0_i32 = arith.constant 0 : i32
    %c0_i32_0 = arith.constant 0 : i32
    return %c0_i32, %arg0 : i32, i32
  }
  func.func @transform_1(%arg0: i32) -> (i32, i32) {
    %c0_i32 = arith.constant 0 : i32
    %c0_i32_0 = arith.constant 0 : i32
    %c0_i32_1 = arith.constant 0 : i32
    return %c0_i32, %c0_i32_0 : i32, i32
  }
  func.func @transform_2(%arg0: i32) -> (i32, i32) {
    %c0_i32 = arith.constant 0 : i32
    %c0_i32_0 = arith.constant 0 : i32
    %c0_i32_1 = arith.constant 0 : i32
    return %c0_i32, %c0_i32_0 : i32, i32
  }
  func.func @transform_3(%arg0: i32) -> (i32, i32) {
    %c0_i32 = arith.constant 0 : i32
    %c0_i32_0 = arith.constant 0 : i32
    return %c0_i32, %arg0 : i32, i32
  }
}

module attributes {stable_mosaic.version = 14 : i64} {
  func.func @_dense_body(%arg0: i32, %arg1: memref<1024x128xf32, #tpu.memory_space<vmem>>, %arg2: memref<16x1024xf32, #tpu.memory_space<vmem>>, %arg3: memref<1x1024xf32, #tpu.memory_space<vmem>>, %arg4: memref<128x128xf32, #tpu.memory_space<vmem>>, %arg5: memref<128x16xf32, #tpu.memory_space<vmem>>, %arg6: memref<128x128xf32, #tpu.memory_space<vmem>>, %arg7: memref<128x16xf32, #tpu.memory_space<vmem>>, %arg8: memref<4x128xf32, #tpu.memory_space<vmem>>, %arg9: memref<4x128xf32, #tpu.memory_space<vmem>>, %arg10: memref<128x1024xf32, #tpu.memory_space<vmem>>, %arg11: memref<4x1024xf32, #tpu.memory_space<vmem>>, %arg12: memref<4x1024xf32, #tpu.memory_space<vmem>>, %arg13: memref<128x1024xf32, #tpu.memory_space<vmem>>) attributes {dimension_semantics = [#tpu.dimension_semantics<arbitrary>], iteration_bounds = array<i64: 10>, scalar_prefetch = 0 : i64, scratch_operands = 0 : i64, tpu.core_type = #tpu.core_type<tc>, window_params = [{transform_indices = @transform_0, window_bounds = array<i64: 1024, 128>}, {transform_indices = @transform_1, window_bounds = array<i64: 16, 1024>}, {transform_indices = @transform_2, window_bounds = array<i64: 1, 1024>}, {pipeline_mode = #tpu.pipeline_mode<synchronous>, transform_indices = @transform_3, window_bounds = array<i64: 128, 128>}, {pipeline_mode = #tpu.pipeline_mode<synchronous>, transform_indices = @transform_4, window_bounds = array<i64: 128, 16>}, {pipeline_mode = #tpu.pipeline_mode<synchronous>, transform_indices = @transform_5, window_bounds = array<i64: 128, 128>}, {pipeline_mode = #tpu.pipeline_mode<synchronous>, transform_indices = @transform_6, window_bounds = array<i64: 128, 16>}, {pipeline_mode = #tpu.pipeline_mode<synchronous>, transform_indices = @transform_7, window_bounds = array<i64: 4, 128>}, {pipeline_mode = #tpu.pipeline_mode<synchronous>, transform_indices = @transform_8, window_bounds = array<i64: 4, 128>}, {transform_indices = @transform_9, window_bounds = array<i64: 128, 1024>}, {transform_indices = @transform_10, window_bounds = array<i64: 4, 1024>}, {transform_indices = @transform_11, window_bounds = array<i64: 4, 1024>}, {transform_indices = @transform_12, window_bounds = array<i64: 128, 1024>}]} {
    %get3A = arith.constant 0 : index
    %get3A_0 = arith.constant 0 : index
    %get3A_1 = vector.load %arg3[%get3A, %get3A_0] : memref<1x1024xf32, #tpu.memory_space<vmem>>, vector<1x1024xf32>
    %max3A = arith.constant 1.000000e+00 : f32
    %max3A_2 = vector.broadcast %max3A : f32 to vector<1x1024xf32>
    %max3A_3 = arith.maximumf %get3A_1, %max3A_2 : vector<1x1024xf32>
    %div3A = arith.constant 1.000000e+00 : f32
    %div3A_4 = vector.broadcast %div3A : f32 to vector<1x1024xf32>
    %div3A_5 = arith.divf %div3A_4, %max3A_3 : vector<1x1024xf32>
    %get3A_6 = arith.constant 0 : index
    %get3A_7 = arith.constant 0 : index
    %get3A_8 = vector.load %arg2[%get3A_6, %get3A_7] : memref<16x1024xf32, #tpu.memory_space<vmem>>, vector<16x1024xf32>
    %mul3A = vector.broadcast %div3A_5 : vector<1x1024xf32> to vector<16x1024xf32>
    %mul3A_9 = arith.mulf %get3A_8, %mul3A : vector<16x1024xf32>
    %get3A_10 = arith.constant 0 : index
    %get3A_11 = arith.constant 0 : index
    %get3A_12 = vector.load %arg1[%get3A_10, %get3A_11] : memref<1024x128xf32, #tpu.memory_space<vmem>>, vector<1024x128xf32>
    %get3A_13 = arith.constant 0 : index
    %get3A_14 = arith.constant 0 : index
    %get3A_15 = vector.load %arg4[%get3A_13, %get3A_14] : memref<128x128xf32, #tpu.memory_space<vmem>>, vector<128x128xf32>
    %dot_general3A = arith.constant dense<0.000000e+00> : vector<128x1024xf32>
    %dot_general3A_16 = tpu.matmul %get3A_15, %get3A_12, %dot_general3A {dimension_numbers = #tpu.dot_dimension_numbers<[1], [1], [0], [0], [0, 0, 1, 0], [], []>, precision = #tpu.contract_precision<fp32>, transpose_lhs_hint = false} : vector<128x128xf32>, vector<1024x128xf32>, vector<128x1024xf32> -> vector<128x1024xf32>
    %get3A_17 = arith.constant 0 : index
    %get3A_18 = arith.constant 0 : index
    %get3A_19 = vector.load %arg5[%get3A_17, %get3A_18] : memref<128x16xf32, #tpu.memory_space<vmem>>, vector<128x16xf32>
    %dot_general3A_20 = arith.constant dense<0.000000e+00> : vector<128x1024xf32>
    %dot_general3A_21 = tpu.matmul %get3A_19, %mul3A_9, %dot_general3A_20 {dimension_numbers = #tpu.dot_dimension_numbers<[1], [0], [0], [1], [0, 0, 1, 1], [], []>, precision = #tpu.contract_precision<fp32>, transpose_lhs_hint = false} : vector<128x16xf32>, vector<16x1024xf32>, vector<128x1024xf32> -> vector<128x1024xf32>
    %add3A = arith.addf %dot_general3A_16, %dot_general3A_21 : vector<128x1024xf32>
    %swap3A = arith.constant 0 : index
    %swap3A_22 = arith.constant 0 : index
    %swap3A_23 = vector.load %arg10[%swap3A, %swap3A_22] : memref<128x1024xf32, #tpu.memory_space<vmem>>, vector<128x1024xf32>
    tpu.vector_store %arg10[%swap3A, %swap3A_22], %add3A {strides = array<i32>} : memref<128x1024xf32, #tpu.memory_space<vmem>>, vector<128x1024xf32>,
    %get3A_24 = arith.constant 0 : index
    %get3A_25 = arith.constant 0 : index
    %get3A_26 = vector.load %arg8[%get3A_24, %get3A_25] : memref<4x128xf32, #tpu.memory_space<vmem>>, vector<4x128xf32>
    %dot_general3A_27 = arith.constant dense<0.000000e+00> : vector<4x1024xf32>
    %dot_general3A_28 = tpu.matmul %get3A_26, %add3A, %dot_general3A_27 {dimension_numbers = #tpu.dot_dimension_numbers<[1], [0], [0], [1], [0, 0, 1, 1], [], []>, precision = #tpu.contract_precision<fp32>, transpose_lhs_hint = false} : vector<4x128xf32>, vector<128x1024xf32>, vector<4x1024xf32> -> vector<4x1024xf32>
    %swap3A_29 = arith.constant 0 : index
    %swap3A_30 = arith.constant 0 : index
    %swap3A_31 = vector.load %arg11[%swap3A_29, %swap3A_30] : memref<4x1024xf32, #tpu.memory_space<vmem>>, vector<4x1024xf32>
    tpu.vector_store %arg11[%swap3A_29, %swap3A_30], %dot_general3A_28 {strides = array<i32>} : memref<4x1024xf32, #tpu.memory_space<vmem>>, vector<4x1024xf32>,
    %get3A_32 = arith.constant 0 : index
    %get3A_33 = arith.constant 0 : index
    %get3A_34 = vector.load %arg9[%get3A_32, %get3A_33] : memref<4x128xf32, #tpu.memory_space<vmem>>, vector<4x128xf32>
    %dot_general3A_35 = arith.constant dense<0.000000e+00> : vector<4x1024xf32>
    %dot_general3A_36 = tpu.matmul %get3A_34, %add3A, %dot_general3A_35 {dimension_numbers = #tpu.dot_dimension_numbers<[1], [0], [0], [1], [0, 0, 1, 1], [], []>, precision = #tpu.contract_precision<fp32>, transpose_lhs_hint = false} : vector<4x128xf32>, vector<128x1024xf32>, vector<4x1024xf32> -> vector<4x1024xf32>
    %swap3A_37 = arith.constant 0 : index
    %swap3A_38 = arith.constant 0 : index
    %swap3A_39 = vector.load %arg12[%swap3A_37, %swap3A_38] : memref<4x1024xf32, #tpu.memory_space<vmem>>, vector<4x1024xf32>
    tpu.vector_store %arg12[%swap3A_37, %swap3A_38], %dot_general3A_36 {strides = array<i32>} : memref<4x1024xf32, #tpu.memory_space<vmem>>, vector<4x1024xf32>,
    %get3A_40 = arith.constant 0 : index
    %get3A_41 = arith.constant 0 : index
    %get3A_42 = vector.load %arg6[%get3A_40, %get3A_41] : memref<128x128xf32, #tpu.memory_space<vmem>>, vector<128x128xf32>
    %dot_general3A_43 = arith.constant dense<0.000000e+00> : vector<128x1024xf32>
    %dot_general3A_44 = tpu.matmul %get3A_42, %get3A_12, %dot_general3A_43 {dimension_numbers = #tpu.dot_dimension_numbers<[1], [1], [0], [0], [0, 0, 1, 0], [], []>, precision = #tpu.contract_precision<fp32>, transpose_lhs_hint = false} : vector<128x128xf32>, vector<1024x128xf32>, vector<128x1024xf32> -> vector<128x1024xf32>
    %get3A_45 = arith.constant 0 : index
    %get3A_46 = arith.constant 0 : index
    %get3A_47 = vector.load %arg7[%get3A_45, %get3A_46] : memref<128x16xf32, #tpu.memory_space<vmem>>, vector<128x16xf32>
    %dot_general3A_48 = arith.constant dense<0.000000e+00> : vector<128x1024xf32>
    %dot_general3A_49 = tpu.matmul %get3A_47, %mul3A_9, %dot_general3A_48 {dimension_numbers = #tpu.dot_dimension_numbers<[1], [0], [0], [1], [0, 0, 1, 1], [], []>, precision = #tpu.contract_precision<fp32>, transpose_lhs_hint = false} : vector<128x16xf32>, vector<16x1024xf32>, vector<128x1024xf32> -> vector<128x1024xf32>
    %add3A_50 = arith.addf %dot_general3A_44, %dot_general3A_49 : vector<128x1024xf32>
    %swap3A_51 = arith.constant 0 : index
    %swap3A_52 = arith.constant 0 : index
    %swap3A_53 = vector.load %arg13[%swap3A_51, %swap3A_52] : memref<128x1024xf32, #tpu.memory_space<vmem>>, vector<128x1024xf32>
    tpu.vector_store %arg13[%swap3A_51, %swap3A_52], %add3A_50 {strides = array<i32>} : memref<128x1024xf32, #tpu.memory_space<vmem>>, vector<128x1024xf32>,
    return
  }
  func.func @transform_0(%arg0: i32) -> (i32, i32) {
    %c0_i32 = arith.constant 0 : i32
    %c0_i32_0 = arith.constant 0 : i32
    return %arg0, %c0_i32 : i32, i32
  }
  func.func @transform_1(%arg0: i32) -> (i32, i32) {
    %c0_i32 = arith.constant 0 : i32
    %c0_i32_0 = arith.constant 0 : i32
    return %c0_i32, %arg0 : i32, i32
  }
  func.func @transform_2(%arg0: i32) -> (i32, i32) {
    %c0_i32 = arith.constant 0 : i32
    %c0_i32_0 = arith.constant 0 : i32
    return %c0_i32, %arg0 : i32, i32
  }
  func.func @transform_3(%arg0: i32) -> (i32, i32) {
    %c0_i32 = arith.constant 0 : i32
    %c0_i32_0 = arith.constant 0 : i32
    %c0_i32_1 = arith.constant 0 : i32
    return %c0_i32, %c0_i32_0 : i32, i32
  }
  func.func @transform_4(%arg0: i32) -> (i32, i32) {
    %c0_i32 = arith.constant 0 : i32
    %c0_i32_0 = arith.constant 0 : i32
    %c0_i32_1 = arith.constant 0 : i32
    return %c0_i32, %c0_i32_0 : i32, i32
  }
  func.func @transform_5(%arg0: i32) -> (i32, i32) {
    %c0_i32 = arith.constant 0 : i32
    %c0_i32_0 = arith.constant 0 : i32
    %c0_i32_1 = arith.constant 0 : i32
    return %c0_i32, %c0_i32_0 : i32, i32
  }
  func.func @transform_6(%arg0: i32) -> (i32, i32) {
    %c0_i32 = arith.constant 0 : i32
    %c0_i32_0 = arith.constant 0 : i32
    %c0_i32_1 = arith.constant 0 : i32
    return %c0_i32, %c0_i32_0 : i32, i32
  }
  func.func @transform_7(%arg0: i32) -> (i32, i32) {
    %c0_i32 = arith.constant 0 : i32
    %c0_i32_0 = arith.constant 0 : i32
    %c0_i32_1 = arith.constant 0 : i32
    return %c0_i32, %c0_i32_0 : i32, i32
  }
  func.func @transform_8(%arg0: i32) -> (i32, i32) {
    %c0_i32 = arith.constant 0 : i32
    %c0_i32_0 = arith.constant 0 : i32
    %c0_i32_1 = arith.constant 0 : i32
    return %c0_i32, %c0_i32_0 : i32, i32
  }
  func.func @transform_9(%arg0: i32) -> (i32, i32) {
    %c0_i32 = arith.constant 0 : i32
    %c0_i32_0 = arith.constant 0 : i32
    return %c0_i32, %arg0 : i32, i32
  }
  func.func @transform_10(%arg0: i32) -> (i32, i32) {
    %c0_i32 = arith.constant 0 : i32
    %c0_i32_0 = arith.constant 0 : i32
    return %c0_i32, %arg0 : i32, i32
  }
  func.func @transform_11(%arg0: i32) -> (i32, i32) {
    %c0_i32 = arith.constant 0 : i32
    %c0_i32_0 = arith.constant 0 : i32
    return %c0_i32, %arg0 : i32, i32
  }
  func.func @transform_12(%arg0: i32) -> (i32, i32) {
    %c0_i32 = arith.constant 0 : i32
    %c0_i32_0 = arith.constant 0 : i32
    return %c0_i32, %arg0 : i32, i32
  }
}

module attributes {stable_mosaic.version = 14 : i64} {
  func.func @_final_body(%arg0: i32, %arg1: memref<128x1024xf32, #tpu.memory_space<vmem>>, %arg2: memref<4x1024xf32, #tpu.memory_space<vmem>>, %arg3: memref<128x1024xf32, #tpu.memory_space<vmem>>, %arg4: memref<128x4xf32, #tpu.memory_space<vmem>>, %arg5: memref<128x128xf32, #tpu.memory_space<vmem>>, %arg6: memref<1024x128xf32, #tpu.memory_space<vmem>>) attributes {dimension_semantics = [#tpu.dimension_semantics<arbitrary>], iteration_bounds = array<i64: 10>, scalar_prefetch = 0 : i64, scratch_operands = 0 : i64, tpu.core_type = #tpu.core_type<tc>, window_params = [{transform_indices = @transform_0, window_bounds = array<i64: 128, 1024>}, {transform_indices = @transform_1, window_bounds = array<i64: 4, 1024>}, {transform_indices = @transform_2, window_bounds = array<i64: 128, 1024>}, {pipeline_mode = #tpu.pipeline_mode<synchronous>, transform_indices = @transform_3, window_bounds = array<i64: 128, 4>}, {pipeline_mode = #tpu.pipeline_mode<synchronous>, transform_indices = @transform_4, window_bounds = array<i64: 128, 128>}, {transform_indices = @transform_5, window_bounds = array<i64: 1024, 128>}]} {
    %get3A = arith.constant 0 : index
    %get3A_0 = arith.constant 0 : index
    %get3A_1 = vector.load %arg2[%get3A, %get3A_0] : memref<4x1024xf32, #tpu.memory_space<vmem>>, vector<4x1024xf32>
    %max3A = arith.constant 1.000000e-16 : f32
    %max3A_2 = vector.broadcast %max3A : f32 to vector<4x1024xf32>
    %max3A_3 = arith.maximumf %get3A_1, %max3A_2 : vector<4x1024xf32>
    %div3A = arith.constant 1.000000e+00 : f32
    %div3A_4 = vector.broadcast %div3A : f32 to vector<4x1024xf32>
    %div3A_5 = arith.divf %div3A_4, %max3A_3 : vector<4x1024xf32>
    %get3A_6 = arith.constant 0 : index
    %get3A_7 = arith.constant 0 : index
    %get3A_8 = vector.load %arg4[%get3A_6, %get3A_7] : memref<128x4xf32, #tpu.memory_space<vmem>>, vector<128x4xf32>
    %dot_general3A = arith.constant dense<0.000000e+00> : vector<128x1024xf32>
    %dot_general3A_9 = tpu.matmul %get3A_8, %div3A_5, %dot_general3A {dimension_numbers = #tpu.dot_dimension_numbers<[1], [0], [0], [1], [0, 0, 1, 1], [], []>, precision = #tpu.contract_precision<fp32>, transpose_lhs_hint = false} : vector<128x4xf32>, vector<4x1024xf32>, vector<128x1024xf32> -> vector<128x1024xf32>
    %get3A_10 = arith.constant 0 : index
    %get3A_11 = arith.constant 0 : index
    %get3A_12 = vector.load %arg1[%get3A_10, %get3A_11] : memref<128x1024xf32, #tpu.memory_space<vmem>>, vector<128x1024xf32>
    %mul3A = arith.mulf %get3A_12, %dot_general3A_9 : vector<128x1024xf32>
    %get3A_13 = arith.constant 0 : index
    %get3A_14 = arith.constant 0 : index
    %get3A_15 = vector.load %arg3[%get3A_13, %get3A_14] : memref<128x1024xf32, #tpu.memory_space<vmem>>, vector<128x1024xf32>
    %add3A = arith.addf %mul3A, %get3A_15 : vector<128x1024xf32>
    %get3A_16 = arith.constant 0 : index
    %get3A_17 = arith.constant 0 : index
    %get3A_18 = vector.load %arg5[%get3A_16, %get3A_17] : memref<128x128xf32, #tpu.memory_space<vmem>>, vector<128x128xf32>
    %dot_general3A_19 = arith.constant dense<0.000000e+00> : vector<1024x128xf32>
    %dot_general3A_20 = tpu.matmul %add3A, %get3A_18, %dot_general3A_19 {dimension_numbers = #tpu.dot_dimension_numbers<[0], [0], [1], [1], [0, 1, 1, 1], [], []>, precision = #tpu.contract_precision<fp32>, transpose_lhs_hint = false} : vector<128x1024xf32>, vector<128x128xf32>, vector<1024x128xf32> -> vector<1024x128xf32>
    %gt3A = arith.constant 0.000000e+00 : f32
    %gt3A_21 = vector.broadcast %gt3A : f32 to vector<1024x128xf32>
    %gt3A_22 = arith.cmpf ogt, %dot_general3A_20, %gt3A_21 : vector<1024x128xf32>
    %exp3A = math.exp %dot_general3A_20 : vector<1024x128xf32>
    %sub3A = arith.constant 1.000000e+00 : f32
    %sub3A_23 = vector.broadcast %sub3A : f32 to vector<1024x128xf32>
    %sub3A_24 = arith.subf %exp3A, %sub3A_23 : vector<1024x128xf32>
    %select_n3A = arith.select %gt3A_22, %dot_general3A_20, %sub3A_24 : vector<1024x128xi1>, vector<1024x128xf32>
    %swap3A = arith.constant 0 : index
    %swap3A_25 = arith.constant 0 : index
    %swap3A_26 = vector.load %arg6[%swap3A, %swap3A_25] : memref<1024x128xf32, #tpu.memory_space<vmem>>, vector<1024x128xf32>
    tpu.vector_store %arg6[%swap3A, %swap3A_25], %select_n3A {strides = array<i32>} : memref<1024x128xf32, #tpu.memory_space<vmem>>, vector<1024x128xf32>,
    return
  }
  func.func @transform_0(%arg0: i32) -> (i32, i32) {
    %c0_i32 = arith.constant 0 : i32
    %c0_i32_0 = arith.constant 0 : i32
    return %c0_i32, %arg0 : i32, i32
  }
  func.func @transform_1(%arg0: i32) -> (i32, i32) {
    %c0_i32 = arith.constant 0 : i32
    %c0_i32_0 = arith.constant 0 : i32
    return %c0_i32, %arg0 : i32, i32
  }
  func.func @transform_2(%arg0: i32) -> (i32, i32) {
    %c0_i32 = arith.constant 0 : i32
    %c0_i32_0 = arith.constant 0 : i32
    return %c0_i32, %arg0 : i32, i32
  }
  func.func @transform_3(%arg0: i32) -> (i32, i32) {
    %c0_i32 = arith.constant 0 : i32
    %c0_i32_0 = arith.constant 0 : i32
    %c0_i32_1 = arith.constant 0 : i32
    return %c0_i32, %c0_i32_0 : i32, i32
  }
  func.func @transform_4(%arg0: i32) -> (i32, i32) {
    %c0_i32 = arith.constant 0 : i32
    %c0_i32_0 = arith.constant 0 : i32
    %c0_i32_1 = arith.constant 0 : i32
    return %c0_i32, %c0_i32_0 : i32, i32
  }
  func.func @transform_5(%arg0: i32) -> (i32, i32) {
    %c0_i32 = arith.constant 0 : i32
    %c0_i32_0 = arith.constant 0 : i32
    return %arg0, %c0_i32 : i32, i32
  }
}

</mosaic_0001>

<sc_bundles>
// kernel: kernel.10.cloned.1.call-start
scs
__scs_entry_jumppad:
0x0: {  	(pc) =	sbr.rel $0x88, $3  }
0x1: {  	(tag) =	ssettag $0x0;
	lr =	simm.s32 $0x1  }
0x2: {  	[smem:$0x3F98] =	sst lr;
	_ =	strace $0xD0000000  }
0x3: {  	_ = 	snop  }
0x4: {  	_ = 	snop  }
0x5: {  	_ = 	snop  }
0x6: {  	_ = 	snop  }
0x7: {  	_ = 	snop  }
__scs_overlays_trampoline_lowered:
0x8: {  	[smem:$0x3FA7] =	sst s0  }
0x9: {  	[smem:$0x3FA8] =	sst s1  }
0xa: {  	[smem:$0x3FA9] =	sst s2  }
0xb: {  	[smem:$0x3FAA] =	sst s3  }
0xc: {  	[smem:$0x3FAB] =	sst s4  }
0xd: {  	[smem:$0x3FAC] =	sst s5  }
0xe: {  	[smem:$0x3FAD] =	sst s6  }
0xf: {  	[smem:$0x3FAE] =	sst s7  }
0x10: {  	[smem:$0x3FAF] =	sst s8  }
0x11: {  	[smem:$0x3FB0] =	sst s9;
	s0 =	simm.s32 @!p0 $0x0  }
0x12: {  	s1 =	sld [smem:$0x3F96];
	s0 =	simm.s32 @p0 $0x1  }
0x13: {  	[smem:$0x3FB1] =	sst s0;
	s0 =	simm.s32 @!p1 $0x0  }
0x14: {  	s2 =	sld [smem:$0x3F95];
	s0 =	simm.s32 @p1 $0x1  }
0x15: {  	[smem:$0x3FB2] =	sst s0;
	s0 =	simm.s32 @!p2 $0x0  }
0x16: {  	s3 =	sld [smem:$0x3FDB];
	s0 =	simm.s32 @p2 $0x1  }
0x17: {  	s4 =	simm.s32 $0x1BF5;
	[smem:$0x3FB4] =	sst s0  }
0x18: {  	s0 =	sld [smem:$0x3F97];
	_ =	swait.ge [sflag:s4], $0x0  }
0x19: {  	s7 =	sld [smem:$0x3F98]  }
0x1a: {  	s8 =	sadd.s32 $0xFFFFE003, lr  }
0x1b: {  	s9 =	sadd.s32 $0xFFFFFEF7, lr;
	s5 =	simm.s32 $0xFFFFFFFF;
	p2 =	slt.u32 s8, $0xFFFFF086  }
0x1c: {  	p1 =	slt.u32 s9, $0xF7A;
	s5 =	simm.s32 @!p2 $0x0  }
0x1d: {  	s5 =	simm.s32 @p1 $0x1;
	p0 =	seq.s32 s7, s2  }
0x1e: {  	s7 =	smul.u32 @!p0 $0xF7A, s2;
	p2 =	seq.s32 @!p0 s5, $0x0  }
0x1f: {  	s9 =	smul.u32 $0xF7A, s1;
	s8 =	simm.s32 @!p0 $0x1BF5;
	p2 =	por !p2, p0  }
0x20: {  	[sflag:s8] =	ssyncset.s32 @!p0 $0xFFFFF086;
	s6 =	sadd.s32 @!p0 s3, s7;
	s7 =	simm.s32 @!p0 $0x108  }
0x21: {  	s3 =	sadd.s32 s3, s9;
	s6 =	sadd.s32 @!p0 $0x88, s6;
	s7 =	simm.s32 @p2 $0x1082  }
0x22: {  	[simem:s7], [sflag:s8] =	dma.local @!p0 [hbm:s6], $0xF7A  }
0x23: {  	s9 =	sor.u32 $0xD0000000, s2;
	s6 =	simm.s32 $0x108;
	_ =	swait.ge @!p0 [sflag:s8], $0x0  }
0x24: {  	s3 =	sadd.s32 $0x88, s3;
	s6 =	simm.s32 @!p1 $0x1082;
	[sflag:s4] =	ssyncset.s32 $0xFFFFF086  }
0x25: {  	[simem:s6], [sflag:s4] =	dma.local [hbm:s3], $0xF7A  }
0x26: {  	[smem:$0x3F98] =	sst s1;
	(tag) =	ssettag s2;
	_ =	strace s9  }
0x27: {  	s1 =	sld [smem:$0x3FA8]  }
0x28: {  	s2 =	sld [smem:$0x3FA9]  }
0x29: {  	s4 =	sld [smem:$0x3FAB]  }
0x2a: {  	p0 =	seq.s32 s5, $0x0;
	s5 =	sld [smem:$0x3FAC]  }
0x2b: {  	s6 =	sld [smem:$0x3FAD]  }
0x2c: {  	s7 =	sld [smem:$0x3FAE]  }
0x2d: {  	s3 =	simm.s32 $0x108;
	s8 =	sld [smem:$0x3FAF]  }
0x2e: {  	s3 =	simm.s32 @!p0 $0x1082;
	s9 =	sld [smem:$0x3FB0]  }
0x2f: {  	lr =	sadd.s32 s0, s3;
	s0 =	sld [smem:$0x3FA7]  }
0x30: {  	s3 =	sld [smem:$0x3FAA]  }
0x31: {  	[smem:$0x3FB3] =	sst s10  }
0x32: {  	s10 =	sld [smem:$0x3FB1];
	_ =	sdelay $0x3  }
0x33: {  	p0 =	seq.s32 s10, $0x1;
	s10 =	sld [smem:$0x3FB3];
	_ =	sdelay $0x3  }
0x34: {  	[smem:$0x3FB3] =	sst s10  }
0x35: {  	s10 =	sld [smem:$0x3FB2];
	_ =	sdelay $0x3  }
0x36: {  	p1 =	seq.s32 s10, $0x1;
	s10 =	sld [smem:$0x3FB3];
	_ =	sdelay $0x3  }
0x37: {  	[smem:$0x3FB3] =	sst s10  }
0x38: {  	s10 =	sld [smem:$0x3FB4]  }
0x39: {  	_ = 	snop;
	(pc) =	sbr.ind lr, $3  }
0x3a: {  	_ = 	snop  }
0x3b: {  	_ = 	snop  }
0x3c: {  	p2 =	seq.s32 s10, $0x1;
	s10 =	sld [smem:$0x3FB3]  }
0x3d: {  	_ =	shalt  }
0x3e: {  	_ =	shalt  }
0x3f: {  	_ =	shalt  }
0x40: {  	_ =	shalt  }
0x41: {  	_ =	shalt  }
0x42: {  	_ =	shalt  }
0x43: {  	_ =	shalt  }
0x44: {  	_ =	shalt  }
0x45: {  	_ =	shalt  }
0x46: {  	_ =	shalt  }
0x47: {  	_ =	shalt  }
0x48: {  	_ =	shalt  }
0x49: {  	_ =	shalt  }
0x4a: {  	_ =	shalt  }
0x4b: {  	_ =	shalt  }
0x4c: {  	_ =	shalt  }
0x4d: {  	_ =	shalt  }
0x4e: {  	_ =	shalt  }
0x4f: {  	_ =	shalt  }
0x50: {  	_ =	shalt  }
0x51: {  	_ =	shalt  }
0x52: {  	_ =	shalt  }
0x53: {  	_ =	shalt  }
0x54: {  	_ =	shalt  }
0x55: {  	_ =	shalt  }
0x56: {  	_ =	shalt  }
0x57: {  	_ =	shalt  }
0x58: {  	_ =	shalt  }
0x59: {  	_ =	shalt  }
0x5a: {  	_ =	shalt  }
0x5b: {  	_ =	shalt  }
0x5c: {  	_ =	shalt  }
0x5d: {  	_ =	shalt  }
0x5e: {  	_ =	shalt  }
0x5f: {  	_ =	shalt  }
0x60: {  	_ =	shalt  }
0x61: {  	_ =	shalt  }
0x62: {  	_ =	shalt  }
0x63: {  	_ =	shalt  }
0x64: {  	_ =	shalt  }
0x65: {  	_ =	shalt  }
0x66: {  	_ =	shalt  }
0x67: {  	_ =	shalt  }
0x68: {  	_ =	shalt  }
0x69: {  	_ =	shalt  }
0x6a: {  	_ =	shalt  }
0x6b: {  	_ =	shalt  }
0x6c: {  	_ =	shalt  }
0x6d: {  	_ =	shalt  }
0x6e: {  	_ =	shalt  }
0x6f: {  	_ =	shalt  }
0x70: {  	_ =	shalt  }
0x71: {  	_ =	shalt  }
0x72: {  	_ =	shalt  }
0x73: {  	_ =	shalt  }
0x74: {  	_ =	shalt  }
0x75: {  	_ =	shalt  }
0x76: {  	_ =	shalt  }
0x77: {  	_ =	shalt  }
0x78: {  	_ =	shalt  }
0x79: {  	_ =	shalt  }
0x7a: {  	_ =	shalt  }
0x7b: {  	_ =	shalt  }
0x7c: {  	_ =	shalt  }
0x7d: {  	_ =	shalt  }
0x7e: {  	_ =	shalt  }
0x7f: {  	_ =	shalt  }
0x80: {  	_ =	shalt  }
0x81: {  	_ =	shalt  }
0x82: {  	_ =	shalt  }
0x83: {  	_ =	shalt  }
0x84: {  	_ =	shalt  }
0x85: {  	_ =	shalt  }
0x86: {  	_ =	shalt  }
0x87: {  	_ =	shalt  }
.Lfunc_end0:
.L_simem_size_0:
called_computation.1_lowered:
.L_overlay_start_0:
0x88: {  	s2 =	sld [smem:$0x3FD9]  }
0x89: {  	s3 =	sld [smem:$0x3FFE];
	_ =	sdelay $0x1  }
0x8a: {  	s1 =	srdreg.scid  }
0x8b: {  	s0 =	sand.u32 $0x1, s1  }
0x8c: {  	s17 =	sshll.u32 s0, $0xA;
	s2 =	sadd.s32 s3, s2  }
0x8d: {  	s2 =	sadd.s32 s2, s17  }
0x8e: {  	[smem:$0x3FBF] =	sst s2  }
0x8f: {  	_ = 	snop  }
0x90: {  	s2 =	sld [smem:$0x3FD0];
	(tm) =	ssettm $0x1  }
0x91: {  	s18 =	sld [smem:$0x3FFB];
	_ =	sdelay $0x3  }
0x92: {  	_ =	strace s18  }
0x93: {  	s3 =	sld [smem:$0x3FFC];
	_ =	sdelay $0x3  }
0x94: {  	_ =	strace s3  }
0x95: {  	s3 =	sld [smem:$0x3FFD];
	_ =	sdelay $0x3  }
0x96: {  	_ =	strace s3  }
0x97: {  	_ =	strace $0x8FFFFFFF  }
0x98: {  	s19 =	sld [smem:$0x3FDB];
	_ =	sdelay $0x1  }
0x99: {  	s4 =	simm.s32 $_scs_section_size  }
0x9a: {  	s5 =	simm.s32 $_size__tile_overlayer_lowered;
	s6 =	simm.s32 $_tile_overlayer_lowered  }
0x9b: {  	s22 =	simm.s32 $0x1BFF;
	s21 =	sshll.u32 s6, $0x1;
	s3 =	sadd.s32 s4, s19  }
0x9c: {  	s7 =	simm.s32 $0x0;
	s20 =	sshll.u32 s5, $0x1;
	s5 =	sadd.s32 s21, s3  }
0x9d: {  	[timem:s7], [sflag:s22] =	dma.local [hbm:s5], s20  }
0x9e: {  	_ =	swait.ge [sflag:s22], s20  }
0x9f: {  	s4 =	ssub.s32 $0x0, s20;
	[sflag:s22] =	ssyncset.done $0x0  }
0xa0: {  	[sflag:s22] =	ssyncadd.s32 s4;
	_ =	sdelay $0x1  }
0xa1: {  	s23 =	simm.s32 $0x1B8B  }
0xa2: {  	_ =	swait.ge [sflag:s23], $0x1  }
0xa3: {  	[sflag:s23] =	ssyncset.done $0x0  }
0xa4: {  	s25 =	simm.s32 $0x1B8E;
	s24 =	sld [smem:$0x3FFE];
	[sflag:s23] =	ssyncadd.s32 $0xFFFFFFFF  }
0xa5: {  	s26 =	simm.s32 $execute0_lowered;
	[smem:$0x3FD2] =	sst s25  }
0xa6: {  	s5 =	sshll.u32 s26, $0x1;
	_ =	strace $0x80000049;
	[dreg:$0x1] =	wrdreg $0xFFFFFFFF  }
0xa7: {  	s28 =	simm.s32 $_size_execute0_lowered;
	s3 =	sadd.s32 s3, s5;
	[dreg:$0x0] =	wrdreg $0x0  }
0xa8: {  	s5 =	sshll.u32 s28, $0x1;
	[dreg:$0x2] =	wrdreg s3  }
0xa9: {  	[dreg:$0x3] =	wrdreg s5  }
0xaa: {  	[dreg:$0x4] =	wrdreg $0xC0  }
0xab: {  	_ =	task [dreg:s7], $0x5FFFF  }
0xac: {  	[dreg:$0x1] =	wrdreg $0xFFFFFFFF  }
0xad: {  	[dreg:$0x0] =	wrdreg $0x60  }
0xae: {  	[dreg:$0x2] =	wrdreg s24  }
0xaf: {  	[dreg:$0x3] =	wrdreg s2  }
0xb0: {  	[dreg:$0x4] =	wrdreg $0x9  }
0xb1: {  	_ =	task.clear_ibuf [dreg:s7], $0x5FFFF;
	_ =	strace $0x90000049  }
0xb2: {  	s29 =	simm.s32 $0x9;
	_ =	strace $0x8000004B  }
0xb3: {  	_ =	swait.ge [sflag:s29], $0x1  }
0xb4: {  	[sflag:s29] =	ssyncadd.s32 $0xFFFFFFFF  }
0xb5: {  	_ =	strace $0x9000004B  }
0xb6: {  	_ =	sfence  }
0xb7: {  	s30 =	sld [smem:$0x0];
	_ =	sdelay $0x2  }
0xb8: {  	s31 =	sshll.u32 s1, $0xD;
	s1 =	sshrl.u32 s1, $0x2  }
0xb9: {  	s3 =	sand.u32 $0x4000, s31;
	s1 =	sadd.s32 s1, s30  }
0xba: {  	s0 =	sor.u32 s3, s0;
	s1 =	sshll.u32 s1, $0x11  }
0xbb: {  	s0 =	sor.u32 s1, s0  }
0xbc: {  	s0 =	sadd.s32 $0x8F2B, s0  }
0xbd: {  	[sflag:s0] =	ssyncadd.remote.s32 $0x1  }
0xbe: {  	_ =	sfence.sel $0xFFFF  }
0xbf: {  	[dreg:$0x0] =	wrdreg $0xFFFFFFFF;
	(pc) =	sbr.abs _section_cstart, $3  }
0xc0: {  	[dreg:$0x1] =	wrdreg $0xFFFFFFFF  }
0xc1: {  	_ =	task.clear_ibuf [dreg:s7], $0x2FFFF;
	_ =	strace $0x9FFFFFFF  }
0xc2: {  	(tm) =	ssettm $0x7FFFFFFF  }
0xc3: {  	_ =	shalt  }
tec
execute0_lowered:
.L_overlay_start_1:
0x0: {  	(tag) =	ssettag $0x1  }
0x1: {  	s0 =	srdreg.scid;
	s6 =	rddreg [dreg:$0x0]  }
0x2: {  	s26 =	stileid.u32;
	s2 =	rddreg [dreg:$0x1]  }
0x3: {  	s7 =	simm.s32 $0x1;
	s3 =	simm.s32 $0x0;
	s4 =	sand.u32 $0x1, s0  }
0x4: {  	s12 =	simm.s32 $0x3;
	s13 =	simm.s32 $0x14000;
	s1 =	sshll.u32 s4, $0x4  }
0x5: {  	s14 =	simm.s32 $0x16800;
	s28 =	sand.u32 $0x7, s26;
	s5 =	sor.u32 s26, s1  }
0x6: {  	s15 =	simm.s32 $0x1B800;
	p0 =	sne.s32 s28, $0x0;
	p1 =	seq.s32 s5, $0x0  }
0x7: {  	s16 =	simm.s32 $0x1CC00;
	s17 =	simm.s32 $0x2;
	p1 =	por !p0, !p1  }
0x8: {  	s18 =	simm.s32 $0xA000;
	s19 =	simm.s32 $0x0;
	p1 =	por !p1, !p1  }
0x9: {  	[smem:$0x7FF] =	sst s3;
	s8 =	sshrl.u32 s5, $0x3;
	s7 =	simm.s32 @!p1 $0x0  }
0xa: {  	s29 =	ssub.s32 $0x2, s4;
	s5 =	smul.u32 $0x1400, s5;
	s7 =	ssub.s32 s8, s7  }
0xb: {  	_ =	strace $0x8000004A;
	s31 =	sshrl.u32 s29, $0x1;
	s7 =	smul.u32 $0x2800, s7  }
0xc: {  	s4 =	simm.s32 $0x1;
	s11 =	ssub.s32 s29, s31;
	s9 =	sadd.s32 s5, s6  }
0xd: {  	s11 =	smax.u32 s11, $0x1;
	s5 =	sadd.s32 $0x3A00, s9;
	s30 =	sshrl.u32 s7, $0x3  }
0xe: {  	s9 =	sadd.s32 $0x2E200, s9;
	s8 =	sadd.s32 $0x9C40, s2;
	s10 =	sadd.s32 s30, s6  }
0xf: {  	v0 =	vimm.f32 $0.0e+00;
	s6 =	sadd.s32 $0x2BA00, s10;
	s7 =	sadd.s32 $0x2CE00, s10;
	s10 =	sadd.s32 $0x56200, s10  }
.LBB2_1:
0x10: {  	[tilespmem:s3], [sflag:$0x3] =	stream.linear.gather [hbm4b:s5+s3], $0xA000, $0x38;
	[tilespmem:$0x1E000] =	vst v63  }
0x11: {  	_ =	swait.ge [sflag:s12], $0xA000  }
0x12: {  	[sflag:s12] =	ssyncset.done $0x0  }
0x13: {  	[sflag:s12] =	ssyncadd.s32 $0xFFFF6000  }
0x14: {  	[tilespmem:s13], [sflag:$0x3] =	stream.linear.gather [hbm4b:s6+s3], $0x2800, $0x38;
	[tilespmem:$0x1E000] =	vst v63  }
0x15: {  	_ =	swait.ge [sflag:s12], $0x2800  }
0x16: {  	[sflag:s12] =	ssyncset.done $0x0  }
0x17: {  	p1 =	por $0x0, $0x0;
	[sflag:s12] =	ssyncadd.s32 $0xFFFFD800  }
0x18: {  	[tilespmem:s14], [sflag:$0x3] =	stream.linear.gather [hbm4b:s7+s3], $0x2800, $0x38;
	[tilespmem:$0x1E000] =	vst v63  }
0x19: {  	s20 =	simm.s32 $0x1;
	s21 =	sand.u32 $0xFE00, s3;
	_ =	swait.ge [sflag:s12], $0x2800  }
0x1a: {  	s22 =	sand.u32 $0x40, s3;
	s23 =	simm.s32 $0x0;
	[sflag:s12] =	ssyncset.done $0x0  }
0x1b: {  	s20 =	simm.s32 @!p1 $0x0;
	s21 =	sadd.s32 $0xA000, s21;
	[sflag:s12] =	ssyncadd.s32 $0xFFFFD800  }
0x1c: {  	s20 =	sshll.u32 s20, $0x6;
	s0 =	sor.u32 s22, s21;
	[tilespmem:s23+$0x19000] =	vst v0  }
0x1d: {  	s20 =	sadd.s32 $0x0, s20;
	[tilespmem:s0+$0x0] =	vst v0  }
0x1e: {  	s24 =	sand.u32 $0x3F80, s3;
	s1 =	sor.u32 $0x100, s20;
	[tilespmem:s0+$0x80] =	vst v0  }
0x1f: {  	s25 =	sor.u32 $0x10, s22;
	s24 =	sadd.s32 $0x19000, s24;
	s26 =	sor.u32 $0x180, s20;
	[tilespmem:s1+$0xA000] =	vst v0  }
0x20: {  	s28 =	sor.u32 s25, s24;
	[tilespmem:s26+$0xA000] =	vst v0  }
0x21: {  	s29 =	sor.u32 s25, s21;
	[tilespmem:s28+$0x0] =	vst v0  }
0x22: {  	s30 =	sadd.s32 $0x10, s20;
	[tilespmem:s29+$0x0] =	vst v0  }
0x23: {  	s31 =	sor.u32 $0x100, s30;
	[tilespmem:s29+$0x80] =	vst v0  }
0x24: {  	s0 =	sor.u32 $0x180, s30;
	s26 =	sor.u32 $0x20, s22;
	[tilespmem:s31+$0xA000] =	vst v0  }
0x25: {  	s1 =	sor.u32 s26, s24;
	[tilespmem:s0+$0xA000] =	vst v0  }
0x26: {  	s25 =	sor.u32 s26, s21;
	[tilespmem:s1+$0x0] =	vst v0  }
0x27: {  	s26 =	sadd.s32 $0x20, s20;
	[tilespmem:s25+$0x0] =	vst v0  }
0x28: {  	s28 =	sor.u32 $0x100, s26;
	[tilespmem:s25+$0x80] =	vst v0  }
0x29: {  	s22 =	sor.u32 $0x30, s22;
	s29 =	sor.u32 $0x180, s26;
	[tilespmem:s28+$0xA000] =	vst v0  }
0x2a: {  	s30 =	sor.u32 s22, s24;
	[tilespmem:s29+$0xA000] =	vst v0  }
0x2b: {  	p1 =	por !p1, !p1;
	s22 =	sor.u32 s22, s21;
	[tilespmem:s30+$0x0] =	vst v0  }
0x2c: {  	s21 =	simm.s32 $0x40;
	s31 =	sadd.s32 $0x30, s20;
	s20 =	simm.s32 $0x0;
	[tilespmem:s22+$0x0] =	vst v0  }
0x2d: {  	s23 =	sor.u32 $0x100, s31;
	s24 =	sor.u32 $0x180, s31;
	[tilespmem:s22+$0x80] =	vst v0;
	s22 =	simm.s32 $0x100  }
.LBB2_2:
0x2e: {  	s25 =	simm.s32 $0x1  }
0x2f: {  	s26 =	sand.u32 $0xFE00, s22;
	s20 =	sadd.s32 $0x4, s20;
	[tilespmem:s23+$0xA000] =	vst v0;
	s25 =	simm.s32 @!p1 $0x0  }
0x30: {  	s23 =	sand.u32 $0x40, s21;
	s28 =	sshra.s32 s22, $0x2;
	s26 =	sadd.s32 $0xA000, s26;
	[tilespmem:s24+$0xA000] =	vst v0  }
0x31: {  	s24 =	sshll.u32 s25, $0x6;
	s25 =	sor.u32 s23, s26;
	[tilespmem:s28+$0x19000] =	vst v0;
	s28 =	sor.u32 $0x10, s23  }
0x32: {  	s29 =	sor.u32 $0x20, s23;
	p2 =	slt.u32 s20, $0x27C;
	s24 =	sadd.s32 s24, s22;
	[tilespmem:s25+$0x0] =	vst v0  }
0x33: {  	s30 =	sand.u32 $0x3F80, s21;
	s31 =	sadd.s32 $0x10, s24;
	[tilespmem:s25+$0x80] =	vst v0;
	s25 =	sor.u32 $0x100, s24  }
0x34: {  	s30 =	sadd.s32 $0x19000, s30;
	s1 =	sadd.s32 $0x20, s24;
	[tilespmem:s25+$0xA000] =	vst v0;
	s25 =	sor.u32 $0x180, s24  }
0x35: {  	s0 =	sor.u32 s29, s30;
	s24 =	sadd.s32 $0x30, s24;
	[tilespmem:s25+$0xA000] =	vst v0;
	s25 =	sor.u32 s28, s30  }
0x36: {  	[tilespmem:s25+$0x0] =	vst v0;
	s25 =	sor.u32 s28, s26  }
0x37: {  	[tilespmem:s25+$0x0] =	vst v0  }
0x38: {  	[tilespmem:s25+$0x80] =	vst v0;
	s25 =	sor.u32 $0x100, s31  }
0x39: {  	[tilespmem:s25+$0xA000] =	vst v0;
	s25 =	sor.u32 $0x180, s31  }
0x3a: {  	[tilespmem:s25+$0xA000] =	vst v0  }
0x3b: {  	[tilespmem:s0+$0x0] =	vst v0;
	s0 =	sor.u32 s29, s26  }
0x3c: {  	[tilespmem:s0+$0x0] =	vst v0  }
0x3d: {  	[tilespmem:s0+$0x80] =	vst v0;
	s0 =	sor.u32 $0x100, s1  }
.Ltmp0:
0x3e: {  	[tilespmem:s0+$0xA000] =	vst v0;
	s0 =	sor.u32 $0x180, s1;
	s1 =	sor.u32 $0x30, s23;
	(pc) =	sbr.rel @p2 .LBB2_2-.Ltmp0, $4  }
0x3f: {  	[tilespmem:s0+$0xA000] =	vst v0;
	s0 =	sor.u32 s1, s30  }
0x40: {  	[tilespmem:s0+$0x0] =	vst v0;
	s0 =	sor.u32 s1, s26  }
0x41: {  	s21 =	sadd.s32 $0x40, s21;
	s23 =	sor.u32 $0x100, s24;
	[tilespmem:s0+$0x0] =	vst v0  }
0x42: {  	p1 =	por !p1, !p1;
	s22 =	sadd.s32 $0x100, s22;
	s24 =	sor.u32 $0x180, s24;
	[tilespmem:s0+$0x80] =	vst v0  }
0x43: {  	[tilespmem:s23+$0xA000] =	vst v0  }
0x44: {  	s20 =	simm.s32 $0x0;
	[tilespmem:s24+$0xA000] =	vst v0  }
0x45: {  	[tilespmem:s15], [sflag:$0x1] =	stream.linear.gather [hbm4b:s2+s20], $0xA00, $0x38;
	[tilespmem:$0x1E000] =	vst v63  }
0x46: {  	s21 =	simm.s32 $0x0  }
0x47: {  	[tilespmem:s16], [sflag:$0x2] =	stream.linear.gather [hbm4b:s8+s20], $0xA00, $0x38;
	[tilespmem:$0x1E000] =	vst v63  }
.LBB2_5:
0x48: {  	s0 =	smov.u32 s21  }
0x49: {  	s21 =	sadd.s32 $0x1, s21;
	p1 =	seq.s32 s0, $0x7C  }
0x4a: {  	s1 =	sand.u32 @!p1 $0x1, s21  }
0x4b: {  	p2 =	seq.s32 @!p1 s1, $0x1;
	s1 =	smul.u32 @!p1 $0xA00, s21  }
0x4c: {  	s22 =	simm.s32 @!p1 $0xA00;
	p2 =	por !p2, p1  }
0x4d: {  	s22 =	simm.s32 @p2 $0x0;
	s1 =	sshrl.u32 @!p1 s1, $0x3  }
0x4e: {  	s24 =	simm.s32 @!p1 $0x0;
	s23 =	sadd.s32 @!p1 $0x1B800, s22;
	s1 =	sadd.s32 @!p1 s2, s1  }
0x4f: {  	[tilespmem:s23], [sflag:$0x1] =	stream.linear.gather @!p1 [hbm4b:s1+s24], $0xA00, $0x38;
	[tilespmem:$0x1E000] =	vst v63  }
0x50: {  	s22 =	sadd.s32 @!p1 $0x1CC00, s22;
	s1 =	sadd.s32 @!p1 $0x9C40, s1  }
0x51: {  	[tilespmem:s22], [sflag:$0x2] =	stream.linear.gather @!p1 [hbm4b:s1+s24], $0xA00, $0x38;
	[tilespmem:$0x1E000] =	vst v63  }
0x52: {  	s0 =	sand.u32 $0x1, s0;
	_ =	swait.ge [sflag:s4], $0xA00  }
0x53: {  	p1 =	seq.s32 s0, $0x1;
	s22 =	simm.s32 $0xA00;
	[sflag:s4] =	ssyncset.done $0x0  }
0x54: {  	s22 =	simm.s32 @!p1 $0x0;
	[sflag:s4] =	ssyncadd.s32 $0xFFFFF600  }
0x55: {  	s29 =	sadd.s32 $0x0, s22;
	_ =	swait.ge [sflag:s17], $0xA00  }
0x56: {  	s30 =	sand.u32 $0x60, s20;
	s0 =	sand.u32 $0x1F80, s29;
	[sflag:s17] =	ssyncset.done $0x0  }
0x57: {  	s31 =	sor.u32 s30, s0;
	[sflag:s17] =	ssyncadd.s32 $0xFFFFF600  }
0x58: {  	v1 =	vld [tilespmem:s31+$0x1B800]  }
0x59: {  	v2 =	vld [tilespmem:s31+$0x1CC00];
	_ =	sdelay $0x6  }
0x5a: {  	v3 =	vld.idx.msk [tilespmem:v1+s13+$0x0], $0xffff  }
0x5b: {  	v4 =	vld.idx.msk [tilespmem:v2+s14+$0x0], $0xffff;
	_ =	sdelay $0x4  }
0x5c: {  	v3 =	vadd.f32 v4, v3;
	_ =	sdelay $0x1  }
0x5d: {  	v4 =	vmul.f32 $9.999999770e-03, v3;
	_ =	sdelay $0x1  }
0x5e: {  	v3 =	vmax.f32 v3, v4  }
0x5f: {  	v3 =	vmul.f32 $1.442695020e+00, v3;
	_ =	sdelay $0x1  }
0x60: {  	(erf) = vpow2.f32 v3;
	_ =	sdelay $0x3  }
0x61: {  	v3 =	vshll.u32 v1, $0x2  }
0x62: {  	v1 =	vand.u32 $0x7F, v1;
	v3 =	vand.u32 $0xFFFFFE00, v3  }
0x63: {  	v1 =	vor.u32 v1, v3;
	_ =	sdelay $0x2  }
0x64: {  	s23 =	simm.s32 @!p0 $0x19000;
	v3 =	vpop (erf)  }
0x65: {  	[tilespmem:v2+s23+$0x0] =	vst.idx.add.f32.msk @!p0 $0xffff, v3  }
0x66: {  	v4 =	vshll.u32 v2, $0x2;
	v5 =	vld.idx.msk [tilespmem:v1+s3+$0x0], $0xffff  }
0x67: {  	v4 =	vand.u32 $0xFFFFFE00, v4;
	v2 =	vand.u32 $0x7F, v2  }
0x68: {  	v2 =	vor.u32 v2, v4  }
0x69: {  	v4 =	vor.u32 $0x80, v1;
	_ =	sdelay $0x1  }
0x6a: {  	v5 =	vmul.f32 v5, v3;
	_ =	sdelay $0x1  }
0x6b: {  	[tilespmem:v2+s18+$0x0] =	vst.idx.add.f32.msk $0xffff, v5  }
0x6c: {  	v4 =	vld.idx.msk [tilespmem:v4+s3+$0x0], $0xffff;
	_ =	sdelay $0x1  }
0x6d: {  	v5 =	vor.u32 $0x80, v2  }
0x6e: {  	v6 =	vor.u32 $0x100, v1;
	_ =	sdelay $0x1  }
0x6f: {  	v4 =	vmul.f32 v4, v3;
	_ =	sdelay $0x1  }
0x70: {  	[tilespmem:v5+s18+$0x0] =	vst.idx.add.f32.msk $0xffff, v4  }
0x71: {  	v4 =	vld.idx.msk [tilespmem:v6+s3+$0x0], $0xffff;
	_ =	sdelay $0x1  }
0x72: {  	v5 =	vor.u32 $0x100, v2  }
0x73: {  	v1 =	vor.u32 $0x180, v1;
	_ =	sdelay $0x1  }
0x74: {  	v4 =	vmul.f32 v4, v3;
	_ =	sdelay $0x1  }
0x75: {  	[tilespmem:v5+s18+$0x0] =	vst.idx.add.f32.msk $0xffff, v4  }
0x76: {  	v1 =	vld.idx.msk [tilespmem:v1+s3+$0x0], $0xffff;
	_ =	sdelay $0x1  }
0x77: {  	v2 =	vor.u32 $0x180, v2;
	_ =	sdelay $0x2  }
0x78: {  	v1 =	vmul.f32 v1, v3  }
0x79: {  	s0 =	sor.u32 s0, s30  }
0x7a: {  	s0 =	sor.u32 $0x10, s0;
	[tilespmem:v2+s18+$0x0] =	vst.idx.add.f32.msk $0xffff, v1  }
0x7b: {  	v1 =	vld [tilespmem:s0+$0x1B800]  }
0x7c: {  	v2 =	vld [tilespmem:s0+$0x1CC00];
	_ =	sdelay $0x6  }
0x7d: {  	v3 =	vld.idx.msk [tilespmem:v1+s13+$0x0], $0xffff  }
0x7e: {  	v4 =	vld.idx.msk [tilespmem:v2+s14+$0x0], $0xffff;
	_ =	sdelay $0x4  }
0x7f: {  	v3 =	vadd.f32 v4, v3;
	_ =	sdelay $0x1  }
0x80: {  	v4 =	vmul.f32 $9.999999770e-03, v3;
	_ =	sdelay $0x1  }
0x81: {  	v3 =	vmax.f32 v3, v4  }
0x82: {  	v3 =	vmul.f32 $1.442695020e+00, v3;
	_ =	sdelay $0x1  }
0x83: {  	(erf) = vpow2.f32 v3;
	_ =	sdelay $0x3  }
0x84: {  	v3 =	vshll.u32 v1, $0x2  }
0x85: {  	v1 =	vand.u32 $0x7F, v1;
	v3 =	vand.u32 $0xFFFFFE00, v3  }
0x86: {  	v3 =	vor.u32 v1, v3;
	_ =	sdelay $0x2  }
0x87: {  	v1 =	vpop (erf)  }
0x88: {  	[tilespmem:v2+s23+$0x0] =	vst.idx.add.f32.msk @!p0 $0xffff, v1  }
0x89: {  	v4 =	vshll.u32 v2, $0x2;
	v5 =	vld.idx.msk [tilespmem:v3+s3+$0x0], $0xffff  }
0x8a: {  	v4 =	vand.u32 $0xFFFFFE00, v4;
	v2 =	vand.u32 $0x7F, v2  }
0x8b: {  	v2 =	vor.u32 v2, v4  }
0x8c: {  	v4 =	vor.u32 $0x80, v3;
	_ =	sdelay $0x1  }
0x8d: {  	v5 =	vmul.f32 v5, v1;
	_ =	sdelay $0x1  }
0x8e: {  	[tilespmem:v2+s18+$0x0] =	vst.idx.add.f32.msk $0xffff, v5  }
0x8f: {  	v4 =	vld.idx.msk [tilespmem:v4+s3+$0x0], $0xffff;
	_ =	sdelay $0x1  }
0x90: {  	v5 =	vor.u32 $0x80, v2  }
0x91: {  	v63 =	vor.u32 $0x100, v3;
	_ =	sdelay $0x1  }
0x92: {  	v4 =	vmul.f32 v4, v1;
	_ =	sdelay $0x1  }
0x93: {  	[tilespmem:v5+s18+$0x0] =	vst.idx.add.f32.msk $0xffff, v4  }
0x94: {  	v4 =	vld.idx.msk [tilespmem:v63+s3+$0x0], $0xffff;
	_ =	sdelay $0x1  }
0x95: {  	v5 =	vor.u32 $0x100, v2  }
0x96: {  	v3 =	vor.u32 $0x180, v3;
	_ =	sdelay $0x1  }
0x97: {  	v4 =	vmul.f32 v4, v1;
	_ =	sdelay $0x1  }
0x98: {  	[tilespmem:v5+s18+$0x0] =	vst.idx.add.f32.msk $0xffff, v4  }
0x99: {  	v3 =	vld.idx.msk [tilespmem:v3+s3+$0x0], $0xffff;
	_ =	sdelay $0x1  }
0x9a: {  	v2 =	vor.u32 $0x180, v2;
	_ =	sdelay $0x1  }
0x9b: {  	s25 =	simm.s32 $0x2;
	s24 =	simm.s32 $0x20  }
.LBB2_6:
0x9c: {  	s25 =	sadd.s32 $0x2, s25;
	s0 =	sadd.s32 s24, s22;
	v1 =	vmul.f32 v3, v1  }
0x9d: {  	s1 =	sand.u32 $0x60, s24;
	p1 =	slt.u32 s25, $0x9E;
	s0 =	sand.u32 $0x1F80, s0  }
0x9e: {  	s28 =	sor.u32 s1, s0;
	s26 =	sor.u32 s0, s1;
	[tilespmem:v2+s18+$0x0] =	vst.idx.add.f32.msk $0xffff, v1  }
0x9f: {  	v1 =	vld [tilespmem:s28+$0x1B800]  }
0xa0: {  	v2 =	vld [tilespmem:s28+$0x1CC00];
	_ =	sdelay $0x3  }
0xa1: {  	v3 =	vshll.u32 v1, $0x2  }
0xa2: {  	v3 =	vand.u32 $0xFFFFFE00, v3;
	v4 =	vshll.u32 v2, $0x2  }
0xa3: {  	v4 =	vand.u32 $0xFFFFFE00, v4  }
0xa4: {  	v5 =	vld.idx.msk [tilespmem:v1+s13+$0x0], $0xffff  }
0xa5: {  	v6 =	vld.idx.msk [tilespmem:v2+s14+$0x0], $0xffff;
	_ =	sdelay $0x5  }
0xa6: {  	v5 =	vadd.f32 v6, v5;
	_ =	sdelay $0x1  }
0xa7: {  	v6 =	vmul.f32 $9.999999770e-03, v5;
	_ =	sdelay $0x1  }
0xa8: {  	v5 =	vmax.f32 v5, v6  }
0xa9: {  	v5 =	vmul.f32 $1.442695020e+00, v5;
	_ =	sdelay $0x1  }
0xaa: {  	(erf) = vpow2.f32 v5;
	_ =	sdelay $0x3  }
0xab: {  	v1 =	vand.u32 $0x7F, v1  }
0xac: {  	v1 =	vor.u32 v1, v3;
	_ =	sdelay $0x3  }
0xad: {  	v3 =	vpop (erf)  }
0xae: {  	[tilespmem:v2+s23+$0x0] =	vst.idx.add.f32.msk @!p0 $0xffff, v3  }
0xaf: {  	v5 =	vld.idx.msk [tilespmem:v1+s3+$0x0], $0xffff  }
0xb0: {  	v2 =	vand.u32 $0x7F, v2  }
0xb1: {  	v2 =	vor.u32 v2, v4  }
0xb2: {  	v4 =	vor.u32 $0x80, v1;
	_ =	sdelay $0x2  }
0xb3: {  	v5 =	vmul.f32 v5, v3;
	_ =	sdelay $0x1  }
0xb4: {  	[tilespmem:v2+s18+$0x0] =	vst.idx.add.f32.msk $0xffff, v5  }
0xb5: {  	v4 =	vld.idx.msk [tilespmem:v4+s3+$0x0], $0xffff;
	_ =	sdelay $0x1  }
0xb6: {  	v5 =	vor.u32 $0x80, v2  }
0xb7: {  	v6 =	vor.u32 $0x100, v1;
	_ =	sdelay $0x2  }
0xb8: {  	v4 =	vmul.f32 v4, v3;
	_ =	sdelay $0x1  }
0xb9: {  	[tilespmem:v5+s18+$0x0] =	vst.idx.add.f32.msk $0xffff, v4  }
0xba: {  	v4 =	vld.idx.msk [tilespmem:v6+s3+$0x0], $0xffff;
	_ =	sdelay $0x1  }
0xbb: {  	v5 =	vor.u32 $0x100, v2  }
0xbc: {  	v1 =	vor.u32 $0x180, v1;
	_ =	sdelay $0x2  }
0xbd: {  	v4 =	vmul.f32 v4, v3;
	_ =	sdelay $0x1  }
0xbe: {  	[tilespmem:v5+s18+$0x0] =	vst.idx.add.f32.msk $0xffff, v4  }
0xbf: {  	v1 =	vld.idx.msk [tilespmem:v1+s3+$0x0], $0xffff;
	_ =	sdelay $0x1  }
0xc0: {  	v2 =	vor.u32 $0x180, v2;
	_ =	sdelay $0x3  }
0xc1: {  	v1 =	vmul.f32 v1, v3;
	_ =	sdelay $0x1  }
0xc2: {  	s0 =	sor.u32 $0x10, s26;
	[tilespmem:v2+s18+$0x0] =	vst.idx.add.f32.msk $0xffff, v1  }
0xc3: {  	v1 =	vld [tilespmem:s0+$0x1B800]  }
0xc4: {  	v2 =	vld [tilespmem:s0+$0x1CC00];
	_ =	sdelay $0x3  }
0xc5: {  	v3 =	vshll.u32 v1, $0x2  }
0xc6: {  	v3 =	vand.u32 $0xFFFFFE00, v3;
	v4 =	vshll.u32 v2, $0x2  }
0xc7: {  	v4 =	vand.u32 $0xFFFFFE00, v4  }
0xc8: {  	v5 =	vld.idx.msk [tilespmem:v1+s13+$0x0], $0xffff  }
0xc9: {  	v6 =	vld.idx.msk [tilespmem:v2+s14+$0x0], $0xffff;
	_ =	sdelay $0x5  }
0xca: {  	v5 =	vadd.f32 v6, v5;
	_ =	sdelay $0x1  }
0xcb: {  	v6 =	vmul.f32 $9.999999770e-03, v5;
	_ =	sdelay $0x1  }
0xcc: {  	v5 =	vmax.f32 v5, v6  }
0xcd: {  	v5 =	vmul.f32 $1.442695020e+00, v5;
	_ =	sdelay $0x1  }
0xce: {  	(erf) = vpow2.f32 v5;
	_ =	sdelay $0x2  }
0xcf: {  	v1 =	vand.u32 $0x7F, v1  }
0xd0: {  	v3 =	vor.u32 v1, v3;
	_ =	sdelay $0x4  }
0xd1: {  	v1 =	vpop (erf)  }
0xd2: {  	[tilespmem:v2+s23+$0x0] =	vst.idx.add.f32.msk @!p0 $0xffff, v1  }
0xd3: {  	v2 =	vand.u32 $0x7F, v2;
	v5 =	vld.idx.msk [tilespmem:v3+s3+$0x0], $0xffff  }
0xd4: {  	v2 =	vor.u32 v2, v4  }
0xd5: {  	v4 =	vor.u32 $0x80, v3;
	_ =	sdelay $0x3  }
0xd6: {  	v5 =	vmul.f32 v5, v1;
	_ =	sdelay $0x1  }
0xd7: {  	[tilespmem:v2+s18+$0x0] =	vst.idx.add.f32.msk $0xffff, v5  }
0xd8: {  	v4 =	vld.idx.msk [tilespmem:v4+s3+$0x0], $0xffff  }
0xd9: {  	v5 =	vor.u32 $0x80, v2  }
0xda: {  	v6 =	vor.u32 $0x100, v3;
	_ =	sdelay $0x3  }
0xdb: {  	v4 =	vmul.f32 v4, v1;
	_ =	sdelay $0x1  }
0xdc: {  	[tilespmem:v5+s18+$0x0] =	vst.idx.add.f32.msk $0xffff, v4  }
0xdd: {  	v4 =	vld.idx.msk [tilespmem:v6+s3+$0x0], $0xffff  }
0xde: {  	v5 =	vor.u32 $0x100, v2  }
0xdf: {  	v3 =	vor.u32 $0x180, v3;
	_ =	sdelay $0x3  }
0xe0: {  	v4 =	vmul.f32 v4, v1;
	_ =	sdelay $0x1  }
0xe1: {  	[tilespmem:v5+s18+$0x0] =	vst.idx.add.f32.msk $0xffff, v4  }
0xe2: {  	v3 =	vld.idx.msk [tilespmem:v3+s3+$0x0], $0xffff  }
.Ltmp1:
0xe3: {  	v2 =	vor.u32 $0x180, v2;
	(pc) =	sbr.rel @p1 .LBB2_6-.Ltmp1, $2  }
0xe4: {  	_ =	sdelay $0x2  }
0xe5: {  	s24 =	sadd.s32 $0x20, s24  }
0xe6: {  	_ =	sdelay $0x1  }
0xe7: {  	s0 =	sadd.s32 s24, s22;
	v1 =	vmul.f32 v3, v1  }
0xe8: {  	s1 =	sand.u32 $0x60, s24;
	s0 =	sand.u32 $0x1F80, s0  }
0xe9: {  	s31 =	sor.u32 s1, s0;
	[tilespmem:v2+s18+$0x0] =	vst.idx.add.f32.msk $0xffff, v1  }
0xea: {  	v1 =	vld [tilespmem:s31+$0x1B800]  }
0xeb: {  	v2 =	vld [tilespmem:s31+$0x1CC00];
	_ =	sdelay $0x6  }
0xec: {  	v3 =	vld.idx.msk [tilespmem:v1+s13+$0x0], $0xffff  }
0xed: {  	v4 =	vld.idx.msk [tilespmem:v2+s14+$0x0], $0xffff;
	_ =	sdelay $0x4  }
0xee: {  	v3 =	vadd.f32 v4, v3;
	_ =	sdelay $0x1  }
0xef: {  	v4 =	vmul.f32 $9.999999770e-03, v3;
	_ =	sdelay $0x1  }
0xf0: {  	v3 =	vmax.f32 v3, v4  }
0xf1: {  	v3 =	vmul.f32 $1.442695020e+00, v3;
	_ =	sdelay $0x1  }
0xf2: {  	(erf) = vpow2.f32 v3;
	_ =	sdelay $0x3  }
0xf3: {  	v3 =	vshll.u32 v1, $0x2  }
0xf4: {  	v1 =	vand.u32 $0x7F, v1;
	v3 =	vand.u32 $0xFFFFFE00, v3  }
0xf5: {  	v1 =	vor.u32 v1, v3;
	_ =	sdelay $0x2  }
0xf6: {  	s22 =	simm.s32 @!p0 $0x19000;
	v3 =	vpop (erf)  }
0xf7: {  	[tilespmem:v2+s22+$0x0] =	vst.idx.add.f32.msk @!p0 $0xffff, v3  }
0xf8: {  	v55 =	vshll.u32 v2, $0x2;
	v5 =	vld.idx.msk [tilespmem:v1+s3+$0x0], $0xffff  }
0xf9: {  	v4 =	vand.u32 $0xFFFFFE00, v55;
	v2 =	vand.u32 $0x7F, v2  }
0xfa: {  	v2 =	vor.u32 v2, v4  }
0xfb: {  	v56 =	vor.u32 $0x80, v1;
	_ =	sdelay $0x1  }
0xfc: {  	v5 =	vmul.f32 v5, v3;
	_ =	sdelay $0x1  }
0xfd: {  	[tilespmem:v2+s18+$0x0] =	vst.idx.add.f32.msk $0xffff, v5  }
0xfe: {  	v4 =	vld.idx.msk [tilespmem:v56+s3+$0x0], $0xffff;
	_ =	sdelay $0x1  }
0xff: {  	v57 =	vor.u32 $0x80, v2  }
0x100: {  	v6 =	vor.u32 $0x100, v1;
	_ =	sdelay $0x1  }
0x101: {  	v4 =	vmul.f32 v4, v3;
	_ =	sdelay $0x1  }
0x102: {  	[tilespmem:v57+s18+$0x0] =	vst.idx.add.f32.msk $0xffff, v4  }
0x103: {  	v4 =	vld.idx.msk [tilespmem:v6+s3+$0x0], $0xffff;
	_ =	sdelay $0x1  }
0x104: {  	v58 =	vor.u32 $0x100, v2  }
0x105: {  	v1 =	vor.u32 $0x180, v1;
	_ =	sdelay $0x1  }
0x106: {  	v4 =	vmul.f32 v4, v3;
	_ =	sdelay $0x1  }
0x107: {  	[tilespmem:v58+s18+$0x0] =	vst.idx.add.f32.msk $0xffff, v4  }
0x108: {  	v1 =	vld.idx.msk [tilespmem:v1+s3+$0x0], $0xffff;
	_ =	sdelay $0x1  }
0x109: {  	v2 =	vor.u32 $0x180, v2;
	_ =	sdelay $0x2  }
0x10a: {  	v1 =	vmul.f32 v1, v3  }
0x10b: {  	s0 =	sor.u32 s0, s1  }
0x10c: {  	s0 =	sor.u32 $0x10, s0;
	[tilespmem:v2+s18+$0x0] =	vst.idx.add.f32.msk $0xffff, v1  }
0x10d: {  	v1 =	vld [tilespmem:s0+$0x1B800]  }
0x10e: {  	v2 =	vld [tilespmem:s0+$0x1CC00];
	_ =	sdelay $0x6  }
0x10f: {  	v3 =	vld.idx.msk [tilespmem:v1+s13+$0x0], $0xffff  }
0x110: {  	v4 =	vld.idx.msk [tilespmem:v2+s14+$0x0], $0xffff;
	_ =	sdelay $0x4  }
0x111: {  	v3 =	vadd.f32 v4, v3;
	_ =	sdelay $0x1  }
0x112: {  	v4 =	vmul.f32 $9.999999770e-03, v3;
	_ =	sdelay $0x1  }
0x113: {  	v3 =	vmax.f32 v3, v4  }
0x114: {  	v3 =	vmul.f32 $1.442695020e+00, v3;
	_ =	sdelay $0x1  }
0x115: {  	(erf) = vpow2.f32 v3;
	_ =	sdelay $0x3  }
0x116: {  	v3 =	vshll.u32 v1, $0x2  }
0x117: {  	v1 =	vand.u32 $0x7F, v1;
	v3 =	vand.u32 $0xFFFFFE00, v3  }
0x118: {  	v1 =	vor.u32 v1, v3;
	_ =	sdelay $0x2  }
0x119: {  	v3 =	vpop (erf)  }
0x11a: {  	[tilespmem:v2+s22+$0x0] =	vst.idx.add.f32.msk @!p0 $0xffff, v3  }
0x11b: {  	v59 =	vshll.u32 v2, $0x2;
	v5 =	vld.idx.msk [tilespmem:v1+s3+$0x0], $0xffff  }
0x11c: {  	v4 =	vand.u32 $0xFFFFFE00, v59;
	v2 =	vand.u32 $0x7F, v2  }
0x11d: {  	v2 =	vor.u32 v2, v4  }
0x11e: {  	v60 =	vor.u32 $0x80, v1;
	_ =	sdelay $0x1  }
0x11f: {  	v5 =	vmul.f32 v5, v3;
	_ =	sdelay $0x1  }
0x120: {  	[tilespmem:v2+s18+$0x0] =	vst.idx.add.f32.msk $0xffff, v5  }
0x121: {  	v4 =	vld.idx.msk [tilespmem:v60+s3+$0x0], $0xffff;
	_ =	sdelay $0x1  }
0x122: {  	v61 =	vor.u32 $0x80, v2  }
0x123: {  	v62 =	vor.u32 $0x100, v1;
	_ =	sdelay $0x1  }
0x124: {  	v4 =	vmul.f32 v4, v3;
	_ =	sdelay $0x1  }
0x125: {  	[tilespmem:v61+s18+$0x0] =	vst.idx.add.f32.msk $0xffff, v4  }
0x126: {  	v4 =	vld.idx.msk [tilespmem:v62+s3+$0x0], $0xffff;
	_ =	sdelay $0x1  }
0x127: {  	v63 =	vor.u32 $0x100, v2  }
0x128: {  	v1 =	vor.u32 $0x180, v1;
	_ =	sdelay $0x1  }
0x129: {  	v4 =	vmul.f32 v4, v3;
	_ =	sdelay $0x1  }
0x12a: {  	[tilespmem:v63+s18+$0x0] =	vst.idx.add.f32.msk $0xffff, v4  }
0x12b: {  	v1 =	vld.idx.msk [tilespmem:v1+s3+$0x0], $0xffff;
	_ =	sdelay $0x1  }
0x12c: {  	v2 =	vor.u32 $0x180, v2;
	_ =	sdelay $0x2  }
0x12d: {  	v1 =	vmul.f32 v1, v3;
	_ =	sdelay $0x1  }
0x12e: {  	[tilespmem:v2+s18+$0x0] =	vst.idx.add.f32.msk $0xffff, v1  }
0x12f: {  	p1 =	seq.s32 s21, $0x7D  }
.Ltmp2:
0x130: {  	_ = 	snop;
	(pc) =	sbr.rel @!p1 .LBB2_5-.Ltmp2, $1  }
0x131: {  	_ =	sdelay $0x3  }
0x132: {  	[hbm4b:s9+s3] =	stream.linear.scatter [tilespmem:s18], [sflag:$0x3], $0xA000, $0x38;
	[tilespmem:$0x1E000] =	vst v63  }
0x133: {  	_ =	swait.ge [sflag:s12], $0xA000  }
0x134: {  	s0 =	simm.s32 @!p0 $0x0;
	s19 =	sadd.s32 $0x1, s19;
	[sflag:s12] =	ssyncset.done $0x0  }
0x135: {  	s1 =	simm.s32 @!p0 $0x19000;
	p1 =	sne.s32 s19, s11;
	[sflag:s12] =	ssyncadd.s32 $0xFFFF6000  }
0x136: {  	[hbm4b:s10+s0] =	stream.linear.scatter @!p0 [tilespmem:s1], [sflag:$0x3], $0x2800, $0x38;
	[tilespmem:$0x1E000] =	vst v63  }
.Ltmp3:
0x137: {  	_ = 	snop;
	(pc) =	sbr.rel @p1 .LBB2_1-.Ltmp3, $4  }
0x138: {  	s0 =	simm.s32 @!p0 $0x3  }
0x139: {  	_ =	swait.ge @!p0 [sflag:s0], $0x2800  }
0x13a: {  	[sflag:s0] =	ssyncset.done @!p0 $0x0  }
0x13b: {  	[sflag:s0] =	ssyncadd.s32 @!p0 $0xFFFFD800  }
0x13c: {  	_ =	sfence.sel $0x180000  }
0x13d: {  	[bflag:$0x0] =	sbarrier.arrive $0xFFFF  }
0x13e: {  	_ =	strace $0x9000004A  }
0x13f: {  	s0 =	stileid.u32;
	[bflag:$0x2] =	sbarrier.arrive $0xFFFF  }
0x140: {  	p0 =	sne.s32 s0, $0x0;
	s0 =	rddreg [dreg:$0x2]  }
0x141: {  	s0 =	sadd.s32 @!p0 $0x100000, s0  }
0x142: {  	[sflag:s0] =	ssyncadd.tile.s32 @!p0 $0x1;
	_ =	shalt  }
.Lfunc_end2:
_tile_overlayer_lowered:
.L_overlay_start_2:
0x143: {  	(tag) =	ssettag $0x2  }
0x144: {  	s0 =	rddreg [dreg:$0x0];
	s2 =	stileid.u32  }
0x145: {  	s1 =	rddreg [dreg:$0x1];
	p0 =	sne.s32 s2, $0x0  }
0x146: {  	s3 =	rddreg [dreg:$0x2];
	[bflag:$0x3] =	sbarrier.arrive $0xFFFF;
	s2 =	simm.s32 @!p0 $0x1C03  }
0x147: {  	[timem:s3], [sflag:s2] =	dma.local @!p0 [hbm:s0], s1  }
0x148: {  	s0 =	simm.s32 @!p0 $0x3  }
0x149: {  	_ =	swait.ge @!p0 [sflag:s0], s1  }
0x14a: {  	s1 =	ssub.s32 @!p0 $0x0, s1;
	[sflag:s0] =	ssyncset.done @!p0 $0x0  }
0x14b: {  	[sflag:s0] =	ssyncadd.s32 @!p0 s1  }
0x14c: {  	[bflag:$0x3] =	sbarrier.arrive $0xFFFF  }
0x14d: {  	_ =	shalt  }

// kernel: kernel.7.cloned.1.call-start
scs
__scs_entry_jumppad:
0x0: {  	(pc) =	sbr.rel $0x88, $3  }
0x1: {  	(tag) =	ssettag $0x0;
	lr =	simm.s32 $0x1  }
0x2: {  	[smem:$0x3F98] =	sst lr;
	_ =	strace $0xD0000000  }
0x3: {  	_ = 	snop  }
0x4: {  	_ = 	snop  }
0x5: {  	_ = 	snop  }
0x6: {  	_ = 	snop  }
0x7: {  	_ = 	snop  }
__scs_overlays_trampoline_lowered:
0x8: {  	[smem:$0x3FA7] =	sst s0  }
0x9: {  	[smem:$0x3FA8] =	sst s1  }
0xa: {  	[smem:$0x3FA9] =	sst s2  }
0xb: {  	[smem:$0x3FAA] =	sst s3  }
0xc: {  	[smem:$0x3FAB] =	sst s4  }
0xd: {  	[smem:$0x3FAC] =	sst s5  }
0xe: {  	[smem:$0x3FAD] =	sst s6  }
0xf: {  	[smem:$0x3FAE] =	sst s7  }
0x10: {  	[smem:$0x3FAF] =	sst s8  }
0x11: {  	[smem:$0x3FB0] =	sst s9;
	s0 =	simm.s32 @!p0 $0x0  }
0x12: {  	s1 =	sld [smem:$0x3F96];
	s0 =	simm.s32 @p0 $0x1  }
0x13: {  	[smem:$0x3FB1] =	sst s0;
	s0 =	simm.s32 @!p1 $0x0  }
0x14: {  	s2 =	sld [smem:$0x3F95];
	s0 =	simm.s32 @p1 $0x1  }
0x15: {  	[smem:$0x3FB2] =	sst s0;
	s0 =	simm.s32 @!p2 $0x0  }
0x16: {  	s3 =	sld [smem:$0x3FDB];
	s0 =	simm.s32 @p2 $0x1  }
0x17: {  	s4 =	simm.s32 $0x1BF5;
	[smem:$0x3FB4] =	sst s0  }
0x18: {  	s0 =	sld [smem:$0x3F97];
	_ =	swait.ge [sflag:s4], $0x0  }
0x19: {  	s7 =	sld [smem:$0x3F98]  }
0x1a: {  	s8 =	sadd.s32 $0xFFFFE003, lr  }
0x1b: {  	s9 =	sadd.s32 $0xFFFFFEF7, lr;
	s5 =	simm.s32 $0xFFFFFFFF;
	p2 =	slt.u32 s8, $0xFFFFF086  }
0x1c: {  	p1 =	slt.u32 s9, $0xF7A;
	s5 =	simm.s32 @!p2 $0x0  }
0x1d: {  	s5 =	simm.s32 @p1 $0x1;
	p0 =	seq.s32 s7, s2  }
0x1e: {  	s7 =	smul.u32 @!p0 $0xF7A, s2;
	p2 =	seq.s32 @!p0 s5, $0x0  }
0x1f: {  	s9 =	smul.u32 $0xF7A, s1;
	s8 =	simm.s32 @!p0 $0x1BF5;
	p2 =	por !p2, p0  }
0x20: {  	[sflag:s8] =	ssyncset.s32 @!p0 $0xFFFFF086;
	s6 =	sadd.s32 @!p0 s3, s7;
	s7 =	simm.s32 @!p0 $0x108  }
0x21: {  	s3 =	sadd.s32 s3, s9;
	s6 =	sadd.s32 @!p0 $0x88, s6;
	s7 =	simm.s32 @p2 $0x1082  }
0x22: {  	[simem:s7], [sflag:s8] =	dma.local @!p0 [hbm:s6], $0xF7A  }
0x23: {  	s9 =	sor.u32 $0xD0000000, s2;
	s6 =	simm.s32 $0x108;
	_ =	swait.ge @!p0 [sflag:s8], $0x0  }
0x24: {  	s3 =	sadd.s32 $0x88, s3;
	s6 =	simm.s32 @!p1 $0x1082;
	[sflag:s4] =	ssyncset.s32 $0xFFFFF086  }
0x25: {  	[simem:s6], [sflag:s4] =	dma.local [hbm:s3], $0xF7A  }
0x26: {  	[smem:$0x3F98] =	sst s1;
	(tag) =	ssettag s2;
	_ =	strace s9  }
0x27: {  	s1 =	sld [smem:$0x3FA8]  }
0x28: {  	s2 =	sld [smem:$0x3FA9]  }
0x29: {  	s4 =	sld [smem:$0x3FAB]  }
0x2a: {  	p0 =	seq.s32 s5, $0x0;
	s5 =	sld [smem:$0x3FAC]  }
0x2b: {  	s6 =	sld [smem:$0x3FAD]  }
0x2c: {  	s7 =	sld [smem:$0x3FAE]  }
0x2d: {  	s3 =	simm.s32 $0x108;
	s8 =	sld [smem:$0x3FAF]  }
0x2e: {  	s3 =	simm.s32 @!p0 $0x1082;
	s9 =	sld [smem:$0x3FB0]  }
0x2f: {  	lr =	sadd.s32 s0, s3;
	s0 =	sld [smem:$0x3FA7]  }
0x30: {  	s3 =	sld [smem:$0x3FAA]  }
0x31: {  	[smem:$0x3FB3] =	sst s10  }
0x32: {  	s10 =	sld [smem:$0x3FB1];
	_ =	sdelay $0x3  }
0x33: {  	p0 =	seq.s32 s10, $0x1;
	s10 =	sld [smem:$0x3FB3];
	_ =	sdelay $0x3  }
0x34: {  	[smem:$0x3FB3] =	sst s10  }
0x35: {  	s10 =	sld [smem:$0x3FB2];
	_ =	sdelay $0x3  }
0x36: {  	p1 =	seq.s32 s10, $0x1;
	s10 =	sld [smem:$0x3FB3];
	_ =	sdelay $0x3  }
0x37: {  	[smem:$0x3FB3] =	sst s10  }
0x38: {  	s10 =	sld [smem:$0x3FB4]  }
0x39: {  	_ = 	snop;
	(pc) =	sbr.ind lr, $3  }
0x3a: {  	_ = 	snop  }
0x3b: {  	_ = 	snop  }
0x3c: {  	p2 =	seq.s32 s10, $0x1;
	s10 =	sld [smem:$0x3FB3]  }
0x3d: {  	_ =	shalt  }
0x3e: {  	_ =	shalt  }
0x3f: {  	_ =	shalt  }
0x40: {  	_ =	shalt  }
0x41: {  	_ =	shalt  }
0x42: {  	_ =	shalt  }
0x43: {  	_ =	shalt  }
0x44: {  	_ =	shalt  }
0x45: {  	_ =	shalt  }
0x46: {  	_ =	shalt  }
0x47: {  	_ =	shalt  }
0x48: {  	_ =	shalt  }
0x49: {  	_ =	shalt  }
0x4a: {  	_ =	shalt  }
0x4b: {  	_ =	shalt  }
0x4c: {  	_ =	shalt  }
0x4d: {  	_ =	shalt  }
0x4e: {  	_ =	shalt  }
0x4f: {  	_ =	shalt  }
0x50: {  	_ =	shalt  }
0x51: {  	_ =	shalt  }
0x52: {  	_ =	shalt  }
0x53: {  	_ =	shalt  }
0x54: {  	_ =	shalt  }
0x55: {  	_ =	shalt  }
0x56: {  	_ =	shalt  }
0x57: {  	_ =	shalt  }
0x58: {  	_ =	shalt  }
0x59: {  	_ =	shalt  }
0x5a: {  	_ =	shalt  }
0x5b: {  	_ =	shalt  }
0x5c: {  	_ =	shalt  }
0x5d: {  	_ =	shalt  }
0x5e: {  	_ =	shalt  }
0x5f: {  	_ =	shalt  }
0x60: {  	_ =	shalt  }
0x61: {  	_ =	shalt  }
0x62: {  	_ =	shalt  }
0x63: {  	_ =	shalt  }
0x64: {  	_ =	shalt  }
0x65: {  	_ =	shalt  }
0x66: {  	_ =	shalt  }
0x67: {  	_ =	shalt  }
0x68: {  	_ =	shalt  }
0x69: {  	_ =	shalt  }
0x6a: {  	_ =	shalt  }
0x6b: {  	_ =	shalt  }
0x6c: {  	_ =	shalt  }
0x6d: {  	_ =	shalt  }
0x6e: {  	_ =	shalt  }
0x6f: {  	_ =	shalt  }
0x70: {  	_ =	shalt  }
0x71: {  	_ =	shalt  }
0x72: {  	_ =	shalt  }
0x73: {  	_ =	shalt  }
0x74: {  	_ =	shalt  }
0x75: {  	_ =	shalt  }
0x76: {  	_ =	shalt  }
0x77: {  	_ =	shalt  }
0x78: {  	_ =	shalt  }
0x79: {  	_ =	shalt  }
0x7a: {  	_ =	shalt  }
0x7b: {  	_ =	shalt  }
0x7c: {  	_ =	shalt  }
0x7d: {  	_ =	shalt  }
0x7e: {  	_ =	shalt  }
0x7f: {  	_ =	shalt  }
0x80: {  	_ =	shalt  }
0x81: {  	_ =	shalt  }
0x82: {  	_ =	shalt  }
0x83: {  	_ =	shalt  }
0x84: {  	_ =	shalt  }
0x85: {  	_ =	shalt  }
0x86: {  	_ =	shalt  }
0x87: {  	_ =	shalt  }
.Lfunc_end0:
.L_simem_size_0:
called_computation_lowered:
.L_overlay_start_0:
0x88: {  	s2 =	sld [smem:$0x3FD9]  }
0x89: {  	s3 =	sld [smem:$0x3FFE];
	_ =	sdelay $0x1  }
0x8a: {  	s1 =	srdreg.scid  }
0x8b: {  	s0 =	sand.u32 $0x1, s1  }
0x8c: {  	s17 =	sshll.u32 s0, $0xA;
	s2 =	sadd.s32 s3, s2  }
0x8d: {  	s2 =	sadd.s32 s2, s17  }
0x8e: {  	[smem:$0x3FBF] =	sst s2  }
0x8f: {  	_ = 	snop  }
0x90: {  	s2 =	sld [smem:$0x3FD0];
	(tm) =	ssettm $0x1  }
0x91: {  	s18 =	sld [smem:$0x3FFB];
	_ =	sdelay $0x3  }
0x92: {  	_ =	strace s18  }
0x93: {  	s3 =	sld [smem:$0x3FFC];
	_ =	sdelay $0x3  }
0x94: {  	_ =	strace s3  }
0x95: {  	s3 =	sld [smem:$0x3FFD];
	_ =	sdelay $0x3  }
0x96: {  	_ =	strace s3  }
0x97: {  	_ =	strace $0x8FFFFFFF  }
0x98: {  	s19 =	sld [smem:$0x3FDB];
	_ =	sdelay $0x1  }
0x99: {  	s4 =	simm.s32 $_scs_section_size  }
0x9a: {  	s5 =	simm.s32 $_size__tile_overlayer_lowered;
	s6 =	simm.s32 $_tile_overlayer_lowered  }
0x9b: {  	s22 =	simm.s32 $0x1BFF;
	s21 =	sshll.u32 s6, $0x1;
	s3 =	sadd.s32 s4, s19  }
0x9c: {  	s7 =	simm.s32 $0x0;
	s20 =	sshll.u32 s5, $0x1;
	s5 =	sadd.s32 s21, s3  }
0x9d: {  	[timem:s7], [sflag:s22] =	dma.local [hbm:s5], s20  }
0x9e: {  	_ =	swait.ge [sflag:s22], s20  }
0x9f: {  	s4 =	ssub.s32 $0x0, s20;
	[sflag:s22] =	ssyncset.done $0x0  }
0xa0: {  	[sflag:s22] =	ssyncadd.s32 s4;
	_ =	sdelay $0x1  }
0xa1: {  	s23 =	simm.s32 $0x1B8B  }
0xa2: {  	_ =	swait.ge [sflag:s23], $0x1  }
0xa3: {  	[sflag:s23] =	ssyncset.done $0x0  }
0xa4: {  	s25 =	simm.s32 $0x1B8E;
	s24 =	sld [smem:$0x3FFE];
	[sflag:s23] =	ssyncadd.s32 $0xFFFFFFFF  }
0xa5: {  	s26 =	simm.s32 $execute0_lowered;
	[smem:$0x3FD2] =	sst s25  }
0xa6: {  	s5 =	sshll.u32 s26, $0x1;
	_ =	strace $0x80000046;
	[dreg:$0x1] =	wrdreg $0xFFFFFFFF  }
0xa7: {  	s28 =	simm.s32 $_size_execute0_lowered;
	s3 =	sadd.s32 s3, s5;
	[dreg:$0x0] =	wrdreg $0x0  }
0xa8: {  	s5 =	sshll.u32 s28, $0x1;
	[dreg:$0x2] =	wrdreg s3  }
0xa9: {  	[dreg:$0x3] =	wrdreg s5  }
0xaa: {  	[dreg:$0x4] =	wrdreg $0xC0  }
0xab: {  	_ =	task [dreg:s7], $0x5FFFF  }
0xac: {  	[dreg:$0x1] =	wrdreg $0xFFFFFFFF  }
0xad: {  	[dreg:$0x0] =	wrdreg $0x60  }
0xae: {  	[dreg:$0x2] =	wrdreg s24  }
0xaf: {  	[dreg:$0x3] =	wrdreg s2  }
0xb0: {  	[dreg:$0x4] =	wrdreg $0x9  }
0xb1: {  	_ =	task.clear_ibuf [dreg:s7], $0x5FFFF;
	_ =	strace $0x90000046  }
0xb2: {  	s29 =	simm.s32 $0x9;
	_ =	strace $0x80000048  }
0xb3: {  	_ =	swait.ge [sflag:s29], $0x1  }
0xb4: {  	[sflag:s29] =	ssyncadd.s32 $0xFFFFFFFF  }
0xb5: {  	_ =	strace $0x90000048  }
0xb6: {  	_ =	sfence  }
0xb7: {  	s30 =	sld [smem:$0x0];
	_ =	sdelay $0x2  }
0xb8: {  	s31 =	sshll.u32 s1, $0xD;
	s1 =	sshrl.u32 s1, $0x2  }
0xb9: {  	s3 =	sand.u32 $0x4000, s31;
	s1 =	sadd.s32 s1, s30  }
0xba: {  	s0 =	sor.u32 s3, s0;
	s1 =	sshll.u32 s1, $0x11  }
0xbb: {  	s0 =	sor.u32 s1, s0  }
0xbc: {  	s0 =	sadd.s32 $0x8F2B, s0  }
0xbd: {  	[sflag:s0] =	ssyncadd.remote.s32 $0x1  }
0xbe: {  	_ =	sfence.sel $0xFFFF  }
0xbf: {  	[dreg:$0x0] =	wrdreg $0xFFFFFFFF;
	(pc) =	sbr.abs _section_cstart, $3  }
0xc0: {  	[dreg:$0x1] =	wrdreg $0xFFFFFFFF  }
0xc1: {  	_ =	task.clear_ibuf [dreg:s7], $0x2FFFF;
	_ =	strace $0x9FFFFFFF  }
0xc2: {  	(tm) =	ssettm $0x7FFFFFFF  }
0xc3: {  	_ =	shalt  }
tec
execute0_lowered:
.L_overlay_start_1:
0x0: {  	(tag) =	ssettag $0x1  }
0x1: {  	s0 =	srdreg.scid  }
0x2: {  	s6 =	sand.u32 $0x1, s0  }
0x3: {  	s1 =	stileid.u32;
	s4 =	sshll.u32 s6, $0x4  }
0x4: {  	s14 =	sor.u32 s1, s4  }
0x5: {  	p0 =	sgt.u32 s14, $0x10  }
.Ltmp0:
0x6: {  	_ = 	snop;
	(pc) =	sbr.rel @p0 .LBB2_10-.Ltmp0, $4  }
0x7: {  	s7 =	rddreg [dreg:$0x0]  }
0x8: {  	s2 =	rddreg [dreg:$0x1];
	s3 =	simm.s32 $0x0  }
0x9: {  	[smem:$0x7FF] =	sst s3  }
0xa: {  	s0 =	rddreg [dreg:$0x2];
	_ =	strace $0x80000047  }
0xb: {  	s8 =	smul.u32 $0x500, s14  }
0xc: {  	s5 =	smin.u32 s14, $0xF;
	s4 =	sadd.s32 $0x3A00, s7;
	s15 =	sadd.s32 $0xA4E00, s7  }
0xd: {  	s30 =	ssub.s32 $0x2, s6;
	s11 =	simm.s32 $0x3C00;
	s12 =	simm.s32 $0x1  }
0xe: {  	s13 =	simm.s32 $0x2;
	p0 =	seq.s32 s14, $0x10;
	s5 =	smul.u32 $0x4E200, s5  }
0xf: {  	s14 =	simm.s32 $0x3;
	s31 =	sshrl.u32 s30, $0x1;
	s8 =	sadd.s32 s8, s7  }
0x10: {  	s10 =	ssub.s32 s30, s31;
	s7 =	sadd.s32 $0x9C40, s2;
	s9 =	sshrl.u32 s5, $0x3  }
0x11: {  	s6 =	sadd.s32 $0x9FE00, s8;
	s8 =	sadd.s32 s4, s9;
	s9 =	smax.u32 s10, $0x1  }
0x12: {  	v0 =	vimm.f32 $0.0e+00;
	s10 =	simm.s32 $0x2800;
	s6 =	smov.u32 @p0 s15;
	s15 =	simm.s32 $0x0  }
.LBB2_2:
0x13: {  	s16 =	simm.s32 $0x40  }
0x14: {  	[tilespmem:s16+$0xFFFFFFC0] =	vst v0  }
0x15: {  	[tilespmem:s16+$0x30] =	vst v0  }
0x16: {  	[tilespmem:s16+$0x20] =	vst v0  }
0x17: {  	[tilespmem:s16+$0x10] =	vst v0  }
0x18: {  	[tilespmem:s16+$0x0] =	vst v0  }
0x19: {  	[tilespmem:s16+$0xFFFFFFF0] =	vst v0  }
0x1a: {  	s17 =	simm.s32 $0x0;
	[tilespmem:s16+$0xFFFFFFE0] =	vst v0  }
.LBB2_3:
0x1b: {  	s17 =	sadd.s32 $0x8, s17;
	[tilespmem:s16+$0xFFFFFFD0] =	vst v0;
	s16 =	sadd.s32 $0x80, s16  }
0x1c: {  	[tilespmem:s16+$0xFFFFFFC0] =	vst v0;
	p1 =	slt.u32 s17, $0x278  }
0x1d: {  	[tilespmem:s16+$0x30] =	vst v0  }
.Ltmp1:
0x1e: {  	[tilespmem:s16+$0x20] =	vst v0;
	(pc) =	sbr.rel @p1 .LBB2_3-.Ltmp1, $4  }
0x1f: {  	[tilespmem:s16+$0x10] =	vst v0  }
0x20: {  	[tilespmem:s16+$0x0] =	vst v0  }
0x21: {  	[tilespmem:s16+$0xFFFFFFF0] =	vst v0  }
0x22: {  	[tilespmem:s16+$0xFFFFFFE0] =	vst v0  }
0x23: {  	[tilespmem:s16+$0xFFFFFFD0] =	vst v0;
	s16 =	simm.s32 $0x0  }
0x24: {  	[tilespmem:s10], [sflag:$0x1] =	stream.linear.gather [hbm4b:s8+s16], $0xA00, $0x38;
	[tilespmem:$0x5000] =	vst v63  }
0x25: {  	s17 =	simm.s32 $0x0  }
0x26: {  	[tilespmem:s11], [sflag:$0x2] =	stream.linear.gather [hbm4b:s7+s16], $0xA00, $0x38;
	[tilespmem:$0x5000] =	vst v63  }
.LBB2_6:
0x27: {  	s18 =	smov.u32 s17  }
0x28: {  	s17 =	sadd.s32 $0x1, s17;
	p1 =	seq.s32 s18, $0x7C  }
0x29: {  	s19 =	smul.u32 @!p1 $0xA00, s17;
	s20 =	sand.u32 @!p1 $0x1, s17  }
0x2a: {  	s21 =	simm.s32 @!p1 $0xA00;
	p2 =	seq.s32 @!p1 s20, $0x1  }
0x2b: {  	s23 =	simm.s32 @!p1 $0x0;
	s20 =	sadd.s32 @!p1 s5, s19;
	p2 =	por !p2, p1  }
0x2c: {  	s19 =	sshrl.u32 @!p1 s19, $0x3;
	s21 =	simm.s32 @p2 $0x0;
	s20 =	sshrl.u32 @!p1 s20, $0x3  }
0x2d: {  	s19 =	sadd.s32 @!p1 s2, s19;
	s22 =	sadd.s32 @!p1 $0x2800, s21;
	s20 =	sadd.s32 @!p1 s4, s20  }
0x2e: {  	[tilespmem:s22], [sflag:$0x1] =	stream.linear.gather @!p1 [hbm4b:s20+s23], $0xA00, $0x38;
	[tilespmem:$0x5000] =	vst v63  }
0x2f: {  	s19 =	sadd.s32 @!p1 $0x9C40, s19;
	s20 =	sadd.s32 @!p1 $0x3C00, s21  }
0x30: {  	[tilespmem:s20], [sflag:$0x2] =	stream.linear.gather @!p1 [hbm4b:s19+s23], $0xA00, $0x38;
	[tilespmem:$0x5000] =	vst v63  }
0x31: {  	s18 =	sand.u32 $0x1, s18;
	_ =	swait.ge [sflag:s12], $0xA00  }
0x32: {  	p1 =	seq.s32 s18, $0x1;
	s18 =	simm.s32 $0xA00;
	[sflag:s12] =	ssyncset.done $0x0  }
0x33: {  	s18 =	simm.s32 @!p1 $0x0;
	[sflag:s12] =	ssyncadd.s32 $0xFFFFF600  }
0x34: {  	s28 =	sadd.s32 $0x0, s18;
	_ =	swait.ge [sflag:s13], $0xA00  }
0x35: {  	s29 =	sand.u32 $0x40, s16;
	s19 =	sand.u32 $0x1F80, s28;
	[sflag:s13] =	ssyncset.done $0x0  }
0x36: {  	s30 =	sor.u32 s29, s19;
	[sflag:s13] =	ssyncadd.s32 $0xFFFFF600  }
0x37: {  	v1 =	vld [tilespmem:s30+$0x3C00];
	_ =	sdelay $0x1  }
0x38: {  	v2 =	vld [tilespmem:s30+$0x2800];
	_ =	sdelay $0x4  }
0x39: {  	v2 =	vpsel p0, $0x3F800000, v2  }
0x3a: {  	[tilespmem:v1+s3+$0x0] =	vst.idx.add.f32.msk $0xffff, v2  }
0x3b: {  	v1 =	vld [tilespmem:s30+$0x3C10];
	_ =	sdelay $0x1  }
0x3c: {  	v2 =	vld [tilespmem:s30+$0x2810];
	_ =	sdelay $0x4  }
0x3d: {  	v2 =	vpsel p0, $0x3F800000, v2  }
0x3e: {  	[tilespmem:v1+s3+$0x0] =	vst.idx.add.f32.msk $0xffff, v2  }
0x3f: {  	v1 =	vld [tilespmem:s30+$0x3C20];
	_ =	sdelay $0x1  }
0x40: {  	v2 =	vld [tilespmem:s30+$0x2820];
	_ =	sdelay $0x4  }
0x41: {  	v2 =	vpsel p0, $0x3F800000, v2  }
0x42: {  	[tilespmem:v1+s3+$0x0] =	vst.idx.add.f32.msk $0xffff, v2  }
0x43: {  	v1 =	vld [tilespmem:s30+$0x3C30];
	_ =	sdelay $0x1  }
0x44: {  	v2 =	vld [tilespmem:s30+$0x2830];
	_ =	sdelay $0x3  }
0x45: {  	s31 =	sadd.s32 $0x40, s18;
	s19 =	simm.s32 $0x40  }
0x46: {  	s20 =	simm.s32 $0x4;
	s21 =	sand.u32 $0x1F80, s31;
	s22 =	sand.u32 $0x40, s19;
	v2 =	vpsel p0, $0x3F800000, v2  }
.LBB2_7:
0x47: {  	s20 =	sadd.s32 $0x4, s20;
	s21 =	sor.u32 s22, s21;
	[tilespmem:v1+s3+$0x0] =	vst.idx.add.f32.msk $0xffff, v2  }
0x48: {  	p1 =	slt.u32 s20, $0x9C;
	v1 =	vld [tilespmem:s21+$0x3C00];
	_ =	sdelay $0x1  }
0x49: {  	v2 =	vld [tilespmem:s21+$0x2800];
	_ =	sdelay $0x4  }
0x4a: {  	v2 =	vpsel p0, $0x3F800000, v2  }
0x4b: {  	[tilespmem:v1+s3+$0x0] =	vst.idx.add.f32.msk $0xffff, v2  }
0x4c: {  	v1 =	vld [tilespmem:s21+$0x3C10];
	_ =	sdelay $0x1  }
0x4d: {  	v2 =	vld [tilespmem:s21+$0x2810];
	_ =	sdelay $0x4  }
0x4e: {  	v2 =	vpsel p0, $0x3F800000, v2  }
0x4f: {  	[tilespmem:v1+s3+$0x0] =	vst.idx.add.f32.msk $0xffff, v2  }
0x50: {  	v1 =	vld [tilespmem:s21+$0x3C20]  }
0x51: {  	v2 =	vld [tilespmem:s21+$0x2820];
	_ =	sdelay $0x5  }
0x52: {  	v2 =	vpsel p0, $0x3F800000, v2  }
0x53: {  	[tilespmem:v1+s3+$0x0] =	vst.idx.add.f32.msk $0xffff, v2  }
0x54: {  	v1 =	vld [tilespmem:s21+$0x3C30]  }
0x55: {  	v2 =	vld [tilespmem:s21+$0x2830];
	_ =	sdelay $0x1  }
.Ltmp2:
0x56: {  	(pc) =	sbr.rel @p1 .LBB2_7-.Ltmp2, $4  }
0x57: {  	_ = 	snop  }
0x58: {  	s19 =	sadd.s32 $0x40, s19  }
0x59: {  	s21 =	sadd.s32 s19, s18  }
0x5a: {  	s22 =	sand.u32 $0x40, s19;
	s21 =	sand.u32 $0x1F80, s21;
	v2 =	vpsel p0, $0x3F800000, v2  }
0x5b: {  	_ =	sdelay $0x3  }
0x5c: {  	s18 =	sor.u32 s22, s21;
	[tilespmem:v1+s3+$0x0] =	vst.idx.add.f32.msk $0xffff, v2  }
0x5d: {  	v1 =	vld [tilespmem:s18+$0x3C00];
	_ =	sdelay $0x1  }
0x5e: {  	v2 =	vld [tilespmem:s18+$0x2800];
	_ =	sdelay $0x4  }
0x5f: {  	v2 =	vpsel p0, $0x3F800000, v2  }
0x60: {  	[tilespmem:v1+s3+$0x0] =	vst.idx.add.f32.msk $0xffff, v2  }
0x61: {  	v1 =	vld [tilespmem:s18+$0x3C10];
	_ =	sdelay $0x1  }
0x62: {  	v2 =	vld [tilespmem:s18+$0x2810];
	_ =	sdelay $0x4  }
0x63: {  	v2 =	vpsel p0, $0x3F800000, v2  }
0x64: {  	[tilespmem:v1+s3+$0x0] =	vst.idx.add.f32.msk $0xffff, v2  }
0x65: {  	v1 =	vld [tilespmem:s18+$0x3C20];
	_ =	sdelay $0x1  }
0x66: {  	v2 =	vld [tilespmem:s18+$0x2820];
	_ =	sdelay $0x4  }
0x67: {  	v2 =	vpsel p0, $0x3F800000, v2  }
0x68: {  	[tilespmem:v1+s3+$0x0] =	vst.idx.add.f32.msk $0xffff, v2  }
0x69: {  	v1 =	vld [tilespmem:s18+$0x3C30];
	_ =	sdelay $0x1  }
0x6a: {  	v2 =	vld [tilespmem:s18+$0x2830];
	_ =	sdelay $0x4  }
0x6b: {  	v2 =	vpsel p0, $0x3F800000, v2  }
0x6c: {  	[tilespmem:v1+s3+$0x0] =	vst.idx.add.f32.msk $0xffff, v2  }
0x6d: {  	p1 =	seq.s32 s17, $0x7D  }
.Ltmp3:
0x6e: {  	_ = 	snop;
	(pc) =	sbr.rel @!p1 .LBB2_6-.Ltmp3, $1  }
0x6f: {  	_ =	sdelay $0x3  }
0x70: {  	s15 =	sadd.s32 $0x1, s15  }
0x71: {  	p1 =	sne.s32 s15, s9  }
.Ltmp4:
0x72: {  	_ = 	snop;
	(pc) =	sbr.rel @p1 .LBB2_2-.Ltmp4, $4  }
0x73: {  	[hbm4b:s6+s3] =	stream.linear.scatter [tilespmem:s3], [sflag:$0x3], $0x2800, $0x38;
	[tilespmem:$0x5000] =	vst v63  }
0x74: {  	_ =	swait.ge [sflag:s14], $0x2800  }
0x75: {  	[sflag:s14] =	ssyncset.done $0x0  }
0x76: {  	[sflag:s14] =	ssyncadd.s32 $0xFFFFD800  }
.LBB2_10:
0x77: {  	_ =	sfence.sel $0x180000  }
0x78: {  	[bflag:$0x0] =	sbarrier.arrive $0xFFFF  }
0x79: {  	p0 =	sne.s32 s1, $0x0;
	_ =	strace $0x90000047  }
0x7a: {  	s0 =	sadd.s32 @!p0 $0x100000, s0;
	[bflag:$0x2] =	sbarrier.arrive $0xFFFF  }
0x7b: {  	[sflag:s0] =	ssyncadd.tile.s32 @!p0 $0x1;
	_ =	shalt  }
.Lfunc_end2:
_tile_overlayer_lowered:
.L_overlay_start_2:
0x7c: {  	(tag) =	ssettag $0x2  }
0x7d: {  	s0 =	rddreg [dreg:$0x0];
	s2 =	stileid.u32  }
0x7e: {  	s1 =	rddreg [dreg:$0x1];
	p0 =	sne.s32 s2, $0x0  }
0x7f: {  	s3 =	rddreg [dreg:$0x2];
	[bflag:$0x3] =	sbarrier.arrive $0xFFFF;
	s2 =	simm.s32 @!p0 $0x1C03  }
0x80: {  	[timem:s3], [sflag:s2] =	dma.local @!p0 [hbm:s0], s1  }
0x81: {  	s0 =	simm.s32 @!p0 $0x3  }
0x82: {  	_ =	swait.ge @!p0 [sflag:s0], s1  }
0x83: {  	s1 =	ssub.s32 @!p0 $0x0, s1;
	[sflag:s0] =	ssyncset.done @!p0 $0x0  }
0x84: {  	[sflag:s0] =	ssyncadd.s32 @!p0 s1  }
0x85: {  	[bflag:$0x3] =	sbarrier.arrive $0xFFFF  }
0x86: {  	_ =	shalt  }

</sc_bundles>
